<compile_context>
chip_gen: v7x
topology: tpu7x:2x2x1
jax: 0.10.2.dev20260603
libtpu: 0.0.44.dev20260713+nightly
codegen_flags: <defaults>
</compile_context>

<pallas_src>
import functools

import jax
import jax.numpy as jnp
from jax import lax
from jax.experimental import pallas as pl
from jax.experimental.pallas import tpu as pltpu
from jax.experimental.pallas import tpu_sc as plsc

VOCAB = 1000000
DIM = 64
WIDE = 128
BATCH = 16384
NUM_NEG = 10
NUM_ROWS = NUM_NEG + 2
NUM_CN = NUM_NEG + 1
PAR_ROWS = 16

NC = 2
NS = 16
NW = NC * NS
SUB = 256

TL = 24576
NWB = (VOCAB + TL - 1) // TL
TL4 = TL // 4
WROWS = NWB * TL4


def _relayout_kernel(t_ref, o_ref):
    blk = t_ref[...]
    row = lax.broadcasted_iota(jnp.int32, (DIM, DIM), 0)
    col = lax.broadcasted_iota(jnp.int32, (DIM, DIM), 1)
    eye = (row == col).astype(jnp.float32)
    dn = (((0,), (0,)), ((), ()))
    h0 = lax.dot_general(blk[:, : TL // 2], eye, dn,
                         preferred_element_type=jnp.float32)
    h1 = lax.dot_general(blk[:, TL // 2:], eye, dn,
                         preferred_element_type=jnp.float32)
    y = jnp.concatenate([h0, h1], axis=-1)
    o_ref[...] = pltpu.bitcast(y.astype(jnp.bfloat16), jnp.float32)


def _relayout(table_t):
    return pl.pallas_call(
        _relayout_kernel,
        grid=(NWB,),
        in_specs=[pl.BlockSpec((DIM, TL), lambda i: (0, i))],
        out_specs=pl.BlockSpec((TL4, WIDE), lambda i: (i, 0)),
        out_shape=jax.ShapeDtypeStruct((WROWS, WIDE), jnp.float32),
        compiler_params=pltpu.CompilerParams(
            dimension_semantics=("parallel",)),
    )(table_t)


def _sc_gather(table_wide, idx_flat, n_rows):
    per_w = n_rows * BATCH // NW
    nchunk = per_w // SUB
    chunk_b = BATCH // NW
    mesh = plsc.VectorSubcoreMesh(core_axis_name="c", subcore_axis_name="s")

    @functools.partial(
        pl.kernel,
        mesh=mesh,
        out_type=jax.ShapeDtypeStruct((n_rows * BATCH, WIDE), jnp.float32),
        scratch_types=[
            pltpu.VMEM((per_w,), jnp.int32),
            pltpu.VMEM((SUB, WIDE), jnp.float32),
            pltpu.VMEM((SUB, WIDE), jnp.float32),
            pltpu.SemaphoreType.DMA,
            pltpu.SemaphoreType.DMA,
        ],
    )
    def gather_kernel(t_hbm, idx_hbm, g_hbm, idx_v, rows_a, rows_b,
                      sem_a, sem_b):
        wid = lax.axis_index("s") * NC + lax.axis_index("c")
        pltpu.sync_copy(idx_hbm.at[pl.ds(wid * per_w, per_w)], idx_v)
        bufs = (rows_a, rows_b)
        sems = (sem_a, sem_b)
        pend = [None, None]

        def dst(c):
            j, h = divmod(c, chunk_b // SUB)
            return j * BATCH + wid * chunk_b + h * SUB

        for c in range(nchunk):
            s = c % 2
            pend[s] = pltpu.async_copy(
                t_hbm.at[idx_v.at[pl.ds(c * SUB, SUB)]], bufs[s], sems[s]
            )
            if c > 0:
                pend[1 - s].wait()
                pltpu.sync_copy(
                    bufs[1 - s], g_hbm.at[pl.ds(dst(c - 1), SUB)]
                )
        s = (nchunk - 1) % 2
        pend[s].wait()
        pltpu.sync_copy(bufs[s], g_hbm.at[pl.ds(dst(nchunk - 1), SUB)])

    return gather_kernel(table_wide, idx_flat)


BB = 1024


def _unpack(x, code):
    xu = lax.bitcast_convert_type(x, jnp.uint32)
    p = (code % 2)[..., None]
    bits = jnp.where(p == 1, xu & jnp.uint32(0xFFFF0000), xu << 16)
    return lax.bitcast_convert_type(bits, jnp.float32)


def _loss_kernel(c_ref, n_ref, p_ref, o_ref):
    i = pl.program_id(1)
    c = c_ref[...]
    n = n_ref[...]
    par = p_ref[...]
    c128 = _unpack(c, par[0])
    csel = jnp.where(par[0][:, None] >= 2, c128[:, DIM:], c128[:, :DIM])
    csel2 = jnp.concatenate([csel, csel], axis=-1)
    rows = _unpack(n, par[1:NUM_ROWS])
    prod = csel2[None, :, :] * rows
    lane = lax.broadcasted_iota(jnp.int32, (WIDE, 8), 0)
    col = lax.broadcasted_iota(jnp.int32, (WIDE, 8), 1)
    mask = ((col == (lane // DIM)) & (col < 2)).astype(jnp.float32)
    s2 = lax.dot_general(
        prod.reshape(NUM_CN * BB, WIDE), mask,
        (((1,), (0,)), ((), ())), preferred_element_type=jnp.float32,
    )
    s2t = s2.T
    s_lo, s_hi = s2t[0], s2t[1]
    hn = (par[1:NUM_ROWS].reshape(NUM_CN * BB) >= 2).astype(jnp.float32)
    scores = s_lo + hn * (s_hi - s_lo)

    def softplus(x):
        return jnp.maximum(x, 0.0) + jnp.log1p(jnp.exp(-jnp.abs(x)))

    block = (jnp.sum(softplus(-scores[:BB]))
             + jnp.sum(softplus(scores[BB:])))

    @pl.when(i == 0)
    def _():
        o_ref[...] = jnp.zeros_like(o_ref)

    o_ref[...] += block


def _tc_loss(g_center, g_cn, parity):
    n3 = g_cn.reshape(NUM_CN, BATCH, WIDE)
    nb2 = BATCH // BB // 2
    out = pl.pallas_call(
        _loss_kernel,
        grid=(2, nb2),
        in_specs=[
            pl.BlockSpec((BB, WIDE), lambda c, j: (c * nb2 + j, 0)),
            pl.BlockSpec((NUM_CN, BB, WIDE), lambda c, j: (0, c * nb2 + j, 0)),
            pl.BlockSpec((PAR_ROWS, BB), lambda c, j: (0, c * nb2 + j)),
        ],
        out_specs=pl.BlockSpec((1, 1, 1), lambda c, j: (c, 0, 0)),
        out_shape=jax.ShapeDtypeStruct((2, 1, 1), jnp.float32),
        compiler_params=pltpu.CompilerParams(
            dimension_semantics=("parallel", "arbitrary")),
    )(g_center, n3, parity)
    return (out[0, 0, 0] + out[1, 0, 0]) / BATCH


def kernel(center_nodes, context_nodes, negative_nodes, input_emb, output_emb):
    idx = jnp.concatenate(
        [
            center_nodes.astype(jnp.int32)[None, :],
            context_nodes.astype(jnp.int32)[None, :],
            negative_nodes.astype(jnp.int32).T,
        ],
        axis=0,
    )
    rr = idx % TL
    h = rr // (TL // 2)
    u = rr % (TL // 2)
    code = (2 * h + (u % 2)).astype(jnp.float32)
    parity = jnp.zeros((PAR_ROWS, BATCH), jnp.float32)
    parity = parity.at[:NUM_ROWS].set(code)
    half = (idx // TL) * TL4 + (u // 2)
    idx_cn = (
        half[1:].reshape(NUM_CN, NW, BATCH // NW)
        .transpose(1, 0, 2).reshape(-1)
    )
    idx_c = half[0].reshape(NW, BATCH // NW).reshape(-1)
    out_wide = _relayout(output_emb.T)
    g_cn = _sc_gather(out_wide, idx_cn, NUM_CN)
    in_wide = _relayout(input_emb.T)
    g_center = _sc_gather(in_wide, idx_c, 1)
    return _tc_loss(g_center, g_cn, parity)

# --- scband reference (transcript-rebuilt; emitter-appended) ---
"""Pipeline reference for scband-node2-vec-model-21698174780154 (READ-ONLY COPY).

The authoritative reference and input builder live on the scoring server;
editing this copy changes nothing except your own understanding.
"""

import jax, jax.numpy as jnp
import numpy as np

VOCAB = 1000000
DIM = 64
BATCH = 16384
NUM_NEG = 10

def setup_inputs(seed: int = 0) -> dict:
    key = jax.random.key(seed)
    k1, k2, k3, k4, k5 = jax.random.split(key, 5)
    center_nodes = jax.random.randint(k1, (BATCH,), 0, VOCAB, dtype=jnp.int64) if jax.config.jax_enable_x64 else jax.random.randint(k1, (BATCH,), 0, VOCAB).astype(jnp.int32)
    context_nodes = jax.random.randint(k2, (BATCH,), 0, VOCAB).astype(center_nodes.dtype)
    negative_nodes = jax.random.randint(k3, (BATCH, NUM_NEG), 0, VOCAB).astype(center_nodes.dtype)
    scale = 0.5 / DIM
    input_emb = jax.random.uniform(k4, (VOCAB, DIM), dtype=jnp.float32, minval=-scale, maxval=scale)
    output_emb = jax.random.uniform(k5, (VOCAB, DIM), dtype=jnp.float32, minval=-scale, maxval=scale)
    return {
        "center_nodes": center_nodes,
        "context_nodes": context_nodes,
        "negative_nodes": negative_nodes,
        "input_emb": input_emb,
        "output_emb": output_emb,
    }

def reference(center_nodes, context_nodes, negative_nodes, input_emb, output_emb):
    # Embedding lookups (gather)
    center_embed = jnp.take(input_emb, center_nodes, axis=0)        # [B, D]
    context_embed = jnp.take(output_emb, context_nodes, axis=0)     # [B, D]
    negative_embed = jnp.take(output_emb, negative_nodes, axis=0)   # [B, N, D]
    # Positive skip-gram score
    positive_score = jnp.sum(center_embed * context_embed, axis=1)  # [B]
    positive_loss = -jnp.log(jax.nn.sigmoid(positive_score))        # [B]
    # Negative sampling scores
    center_expanded = center_embed[:, None, :]                      # [B, 1, D]
    negative_scores = jnp.sum(center_expanded * negative_embed, axis=2)  # [B, N]
    negative_loss = -jnp.sum(jnp.log(jax.nn.sigmoid(-negative_scores)), axis=1)  # [B]
    total_loss = positive_loss + negative_loss
    return jnp.mean(total_loss)

if __name__ == "__main__":
    import jax
    _d = setup_inputs()
    print(jax.jit(kernel)(*tuple(_d.values())))

</pallas_src>

<mosaic_0001>
#map = affine_map<(d0, d1) -> (0, 0)>
#map1 = affine_map<(d0, d1) -> (0)>
module attributes {stable_mosaic.version = 14 : i64} {
  func.func @gather_kernel(%arg0: i32, %arg1: i32, %arg2: memref<251904x128xf32, #tpu.memory_space<hbm>>, %arg3: memref<16384xi32, #tpu.memory_space<hbm>>, %arg4: memref<16384x128xf32, #tpu.memory_space<hbm>>, %arg5: memref<512xi32, #tpu.memory_space<vmem>>, %arg6: memref<256x128xf32, #tpu.memory_space<vmem>>, %arg7: memref<256x128xf32, #tpu.memory_space<vmem>>, %arg8: memref<!tpu.dma_semaphore, #tpu.memory_space<semaphore_mem>>, %arg9: memref<!tpu.dma_semaphore, #tpu.memory_space<semaphore_mem>>) attributes {dimension_semantics = [#tpu.dimension_semantics<core_parallel>, #tpu.dimension_semantics<subcore_parallel>], iteration_bounds = array<i64: 2, 16>, scalar_prefetch = 0 : i64, scratch_operands = 5 : i64, tpu.core_type = #tpu.core_type<sc_vector_subcore>, window_params = [{transform_indices = #map}, {transform_indices = #map1}, {transform_indices = #map}]} {
    %mul3A = arith.constant 2 : i32
    %mul3A_0 = arith.muli %arg1, %mul3A : i32
    %add3A = arith.addi %mul3A_0, %arg0 : i32
    %mul3A_1 = arith.constant 512 : i32
    %mul3A_2 = arith.muli %add3A, %mul3A_1 : i32
    "tpu.region"() ({
      %run_scoped3A = tpu.sem_alloc : memref<!tpu.dma_semaphore, #tpu.memory_space<semaphore_mem>>
      %dma_start3A_33 = tpu.memref_slice %arg3[%mul3A_2] : memref<16384xi32, #tpu.memory_space<hbm>> -> memref<512xi32, #tpu.memory_space<hbm>>
      %dma_start3A_34 = tpu.memref_slice %arg3[%mul3A_2] : memref<16384xi32, #tpu.memory_space<hbm>> -> memref<512xi32, #tpu.memory_space<hbm>>
      tpu.enqueue_dma source(%dma_start3A_34 : memref<512xi32, #tpu.memory_space<hbm>>) target(%arg5 : memref<512xi32, #tpu.memory_space<vmem>>) target_semaphore(%run_scoped3A : memref<!tpu.dma_semaphore, #tpu.memory_space<semaphore_mem>>)
      %dma_wait3A_35 = tpu.memref_slice %arg3[%mul3A_2] : memref<16384xi32, #tpu.memory_space<hbm>> -> memref<512xi32, #tpu.memory_space<hbm>>
      %dma_wait3A_36 = tpu.memref_slice %arg3[%mul3A_2] : memref<16384xi32, #tpu.memory_space<hbm>> -> memref<512xi32, #tpu.memory_space<hbm>>
      tpu.wait_dma2 semaphore(%run_scoped3A : memref<!tpu.dma_semaphore, #tpu.memory_space<semaphore_mem>>) src(%dma_wait3A_36 : memref<512xi32, #tpu.memory_space<hbm>>) dst(%arg5 : memref<512xi32, #tpu.memory_space<vmem>>)
      tpu.yield
    }) : () -> ()
    %dma_start3A = arith.constant 0 : i32
    %dma_start3A_3 = tpu.memref_slice %arg5[%dma_start3A] : memref<512xi32, #tpu.memory_space<vmem>> -> memref<256xi32, #tpu.memory_space<vmem>>
    %dma_start3A_4 = arith.constant 0 : i32
    %dma_start3A_5 = arith.constant 0 : i32
    %dma_start3A_6 = tpu.memref_slice %arg2[%dma_start3A_4, %dma_start3A_5] : memref<251904x128xf32, #tpu.memory_space<hbm>> -> memref<251904x128xf32, #tpu.memory_space<hbm>>
    tpu.enqueue_indirect_dma source(%dma_start3A_6 : memref<251904x128xf32, #tpu.memory_space<hbm>>) target(%arg6 : memref<256x128xf32, #tpu.memory_space<vmem>>) offsets(%dma_start3A_3 : memref<256xi32, #tpu.memory_space<vmem>>) semaphore(%arg8 : memref<!tpu.dma_semaphore, #tpu.memory_space<semaphore_mem>>)
    %dma_start3A_7 = arith.constant 256 : i32
    %dma_start3A_8 = tpu.memref_slice %arg5[%dma_start3A_7] : memref<512xi32, #tpu.memory_space<vmem>> -> memref<256xi32, #tpu.memory_space<vmem>>
    %dma_start3A_9 = arith.constant 0 : i32
    %dma_start3A_10 = arith.constant 0 : i32
    %dma_start3A_11 = tpu.memref_slice %arg2[%dma_start3A_9, %dma_start3A_10] : memref<251904x128xf32, #tpu.memory_space<hbm>> -> memref<251904x128xf32, #tpu.memory_space<hbm>>
    tpu.enqueue_indirect_dma source(%dma_start3A_11 : memref<251904x128xf32, #tpu.memory_space<hbm>>) target(%arg7 : memref<256x128xf32, #tpu.memory_space<vmem>>) offsets(%dma_start3A_8 : memref<256xi32, #tpu.memory_space<vmem>>) semaphore(%arg9 : memref<!tpu.dma_semaphore, #tpu.memory_space<semaphore_mem>>)
    %dma_wait3A = arith.constant 0 : i32
    %dma_wait3A_12 = tpu.memref_slice %arg5[%dma_wait3A] : memref<512xi32, #tpu.memory_space<vmem>> -> memref<256xi32, #tpu.memory_space<vmem>>
    %dma_wait3A_13 = arith.constant 0 : i32
    %dma_wait3A_14 = arith.constant 0 : i32
    %dma_wait3A_15 = tpu.memref_slice %arg2[%dma_wait3A_13, %dma_wait3A_14] : memref<251904x128xf32, #tpu.memory_space<hbm>> -> memref<251904x128xf32, #tpu.memory_space<hbm>>
    tpu.wait_indirect_dma semaphore(%arg8 : memref<!tpu.dma_semaphore, #tpu.memory_space<semaphore_mem>>) src(%dma_wait3A_15 : memref<251904x128xf32, #tpu.memory_space<hbm>>) dst(%arg6 : memref<256x128xf32, #tpu.memory_space<vmem>>)
    %mul3A_16 = arith.constant 512 : i32
    %mul3A_17 = arith.muli %add3A, %mul3A_16 : i32
    %add3A_18 = arith.constant 0 : i32
    %add3A_19 = arith.addi %add3A_18, %mul3A_17 : i32
    %add3A_20 = arith.constant 0 : i32
    %add3A_21 = arith.addi %add3A_19, %add3A_20 : i32
    "tpu.region"() ({
      %run_scoped3A = tpu.sem_alloc : memref<!tpu.dma_semaphore, #tpu.memory_space<semaphore_mem>>
      %dma_start3A_33 = arith.constant 0 : i32
      %dma_start3A_34 = tpu.memref_slice %arg4[%add3A_21, %dma_start3A_33] : memref<16384x128xf32, #tpu.memory_space<hbm>> -> memref<256x128xf32, #tpu.memory_space<hbm>>
      %dma_start3A_35 = arith.constant 0 : i32
      %dma_start3A_36 = tpu.memref_slice %arg4[%add3A_21, %dma_start3A_35] : memref<16384x128xf32, #tpu.memory_space<hbm>> -> memref<256x128xf32, #tpu.memory_space<hbm>>
      tpu.enqueue_dma source(%arg6 : memref<256x128xf32, #tpu.memory_space<vmem>>) target(%dma_start3A_36 : memref<256x128xf32, #tpu.memory_space<hbm>>) target_semaphore(%run_scoped3A : memref<!tpu.dma_semaphore, #tpu.memory_space<semaphore_mem>>)
      %dma_wait3A_37 = arith.constant 0 : i32
      %dma_wait3A_38 = tpu.memref_slice %arg4[%add3A_21, %dma_wait3A_37] : memref<16384x128xf32, #tpu.memory_space<hbm>> -> memref<256x128xf32, #tpu.memory_space<hbm>>
      %dma_wait3A_39 = arith.constant 0 : i32
      %dma_wait3A_40 = tpu.memref_slice %arg4[%add3A_21, %dma_wait3A_39] : memref<16384x128xf32, #tpu.memory_space<hbm>> -> memref<256x128xf32, #tpu.memory_space<hbm>>
      tpu.wait_dma2 semaphore(%run_scoped3A : memref<!tpu.dma_semaphore, #tpu.memory_space<semaphore_mem>>) src(%arg6 : memref<256x128xf32, #tpu.memory_space<vmem>>) dst(%dma_wait3A_40 : memref<256x128xf32, #tpu.memory_space<hbm>>)
      tpu.yield
    }) : () -> ()
    %dma_wait3A_22 = arith.constant 256 : i32
    %dma_wait3A_23 = tpu.memref_slice %arg5[%dma_wait3A_22] : memref<512xi32, #tpu.memory_space<vmem>> -> memref<256xi32, #tpu.memory_space<vmem>>
    %dma_wait3A_24 = arith.constant 0 : i32
    %dma_wait3A_25 = arith.constant 0 : i32
    %dma_wait3A_26 = tpu.memref_slice %arg2[%dma_wait3A_24, %dma_wait3A_25] : memref<251904x128xf32, #tpu.memory_space<hbm>> -> memref<251904x128xf32, #tpu.memory_space<hbm>>
    tpu.wait_indirect_dma semaphore(%arg9 : memref<!tpu.dma_semaphore, #tpu.memory_space<semaphore_mem>>) src(%dma_wait3A_26 : memref<251904x128xf32, #tpu.memory_space<hbm>>) dst(%arg7 : memref<256x128xf32, #tpu.memory_space<vmem>>)
    %mul3A_27 = arith.constant 512 : i32
    %mul3A_28 = arith.muli %add3A, %mul3A_27 : i32
    %add3A_29 = arith.constant 0 : i32
    %add3A_30 = arith.addi %add3A_29, %mul3A_28 : i32
    %add3A_31 = arith.constant 256 : i32
    %add3A_32 = arith.addi %add3A_30, %add3A_31 : i32
    "tpu.region"() ({
      %run_scoped3A = tpu.sem_alloc : memref<!tpu.dma_semaphore, #tpu.memory_space<semaphore_mem>>
      %dma_start3A_33 = arith.constant 0 : i32
      %dma_start3A_34 = tpu.memref_slice %arg4[%add3A_32, %dma_start3A_33] : memref<16384x128xf32, #tpu.memory_space<hbm>> -> memref<256x128xf32, #tpu.memory_space<hbm>>
      %dma_start3A_35 = arith.constant 0 : i32
      %dma_start3A_36 = tpu.memref_slice %arg4[%add3A_32, %dma_start3A_35] : memref<16384x128xf32, #tpu.memory_space<hbm>> -> memref<256x128xf32, #tpu.memory_space<hbm>>
      tpu.enqueue_dma source(%arg7 : memref<256x128xf32, #tpu.memory_space<vmem>>) target(%dma_start3A_36 : memref<256x128xf32, #tpu.memory_space<hbm>>) target_semaphore(%run_scoped3A : memref<!tpu.dma_semaphore, #tpu.memory_space<semaphore_mem>>)
      %dma_wait3A_37 = arith.constant 0 : i32
      %dma_wait3A_38 = tpu.memref_slice %arg4[%add3A_32, %dma_wait3A_37] : memref<16384x128xf32, #tpu.memory_space<hbm>> -> memref<256x128xf32, #tpu.memory_space<hbm>>
      %dma_wait3A_39 = arith.constant 0 : i32
      %dma_wait3A_40 = tpu.memref_slice %arg4[%add3A_32, %dma_wait3A_39] : memref<16384x128xf32, #tpu.memory_space<hbm>> -> memref<256x128xf32, #tpu.memory_space<hbm>>
      tpu.wait_dma2 semaphore(%run_scoped3A : memref<!tpu.dma_semaphore, #tpu.memory_space<semaphore_mem>>) src(%arg7 : memref<256x128xf32, #tpu.memory_space<vmem>>) dst(%dma_wait3A_40 : memref<256x128xf32, #tpu.memory_space<hbm>>)
      tpu.yield
    }) : () -> ()
    return
  }
}

#map = affine_map<(d0, d1) -> (0, 0)>
#map1 = affine_map<(d0, d1) -> (0)>
module attributes {stable_mosaic.version = 14 : i64} {
  func.func @gather_kernel(%arg0: i32, %arg1: i32, %arg2: memref<251904x128xf32, #tpu.memory_space<hbm>>, %arg3: memref<180224xi32, #tpu.memory_space<hbm>>, %arg4: memref<180224x128xf32, #tpu.memory_space<hbm>>, %arg5: memref<5632xi32, #tpu.memory_space<vmem>>, %arg6: memref<256x128xf32, #tpu.memory_space<vmem>>, %arg7: memref<256x128xf32, #tpu.memory_space<vmem>>, %arg8: memref<!tpu.dma_semaphore, #tpu.memory_space<semaphore_mem>>, %arg9: memref<!tpu.dma_semaphore, #tpu.memory_space<semaphore_mem>>) attributes {dimension_semantics = [#tpu.dimension_semantics<core_parallel>, #tpu.dimension_semantics<subcore_parallel>], iteration_bounds = array<i64: 2, 16>, scalar_prefetch = 0 : i64, scratch_operands = 5 : i64, tpu.core_type = #tpu.core_type<sc_vector_subcore>, window_params = [{transform_indices = #map}, {transform_indices = #map1}, {transform_indices = #map}]} {
    %mul3A = arith.constant 2 : i32
    %mul3A_0 = arith.muli %arg1, %mul3A : i32
    %add3A = arith.addi %mul3A_0, %arg0 : i32
    %mul3A_1 = arith.constant 5632 : i32
    %mul3A_2 = arith.muli %add3A, %mul3A_1 : i32
    "tpu.region"() ({
      %run_scoped3A = tpu.sem_alloc : memref<!tpu.dma_semaphore, #tpu.memory_space<semaphore_mem>>
      %dma_start3A_353 = tpu.memref_slice %arg3[%mul3A_2] : memref<180224xi32, #tpu.memory_space<hbm>> -> memref<5632xi32, #tpu.memory_space<hbm>>
      %dma_start3A_354 = tpu.memref_slice %arg3[%mul3A_2] : memref<180224xi32, #tpu.memory_space<hbm>> -> memref<5632xi32, #tpu.memory_space<hbm>>
      tpu.enqueue_dma source(%dma_start3A_354 : memref<5632xi32, #tpu.memory_space<hbm>>) target(%arg5 : memref<5632xi32, #tpu.memory_space<vmem>>) target_semaphore(%run_scoped3A : memref<!tpu.dma_semaphore, #tpu.memory_space<semaphore_mem>>)
      %dma_wait3A_355 = tpu.memref_slice %arg3[%mul3A_2] : memref<180224xi32, #tpu.memory_space<hbm>> -> memref<5632xi32, #tpu.memory_space<hbm>>
      %dma_wait3A_356 = tpu.memref_slice %arg3[%mul3A_2] : memref<180224xi32, #tpu.memory_space<hbm>> -> memref<5632xi32, #tpu.memory_space<hbm>>
      tpu.wait_dma2 semaphore(%run_scoped3A : memref<!tpu.dma_semaphore, #tpu.memory_space<semaphore_mem>>) src(%dma_wait3A_356 : memref<5632xi32, #tpu.memory_space<hbm>>) dst(%arg5 : memref<5632xi32, #tpu.memory_space<vmem>>)
      tpu.yield
    }) : () -> ()
    %dma_start3A = arith.constant 0 : i32
    %dma_start3A_3 = tpu.memref_slice %arg5[%dma_start3A] : memref<5632xi32, #tpu.memory_space<vmem>> -> memref<256xi32, #tpu.memory_space<vmem>>
    %dma_start3A_4 = arith.constant 0 : i32
    %dma_start3A_5 = arith.constant 0 : i32
    %dma_start3A_6 = tpu.memref_slice %arg2[%dma_start3A_4, %dma_start3A_5] : memref<251904x128xf32, #tpu.memory_space<hbm>> -> memref<251904x128xf32, #tpu.memory_space<hbm>>
    tpu.enqueue_indirect_dma source(%dma_start3A_6 : memref<251904x128xf32, #tpu.memory_space<hbm>>) target(%arg6 : memref<256x128xf32, #tpu.memory_space<vmem>>) offsets(%dma_start3A_3 : memref<256xi32, #tpu.memory_space<vmem>>) semaphore(%arg8 : memref<!tpu.dma_semaphore, #tpu.memory_space<semaphore_mem>>)
    %dma_start3A_7 = arith.constant 256 : i32
    %dma_start3A_8 = tpu.memref_slice %arg5[%dma_start3A_7] : memref<5632xi32, #tpu.memory_space<vmem>> -> memref<256xi32, #tpu.memory_space<vmem>>
    %dma_start3A_9 = arith.constant 0 : i32
    %dma_start3A_10 = arith.constant 0 : i32
    %dma_start3A_11 = tpu.memref_slice %arg2[%dma_start3A_9, %dma_start3A_10] : memref<251904x128xf32, #tpu.memory_space<hbm>> -> memref<251904x128xf32, #tpu.memory_space<hbm>>
    tpu.enqueue_indirect_dma source(%dma_start3A_11 : memref<251904x128xf32, #tpu.memory_space<hbm>>) target(%arg7 : memref<256x128xf32, #tpu.memory_space<vmem>>) offsets(%dma_start3A_8 : memref<256xi32, #tpu.memory_space<vmem>>) semaphore(%arg9 : memref<!tpu.dma_semaphore, #tpu.memory_space<semaphore_mem>>)
    %dma_wait3A = arith.constant 0 : i32
    %dma_wait3A_12 = tpu.memref_slice %arg5[%dma_wait3A] : memref<5632xi32, #tpu.memory_space<vmem>> -> memref<256xi32, #tpu.memory_space<vmem>>
    %dma_wait3A_13 = arith.constant 0 : i32
    %dma_wait3A_14 = arith.constant 0 : i32
    %dma_wait3A_15 = tpu.memref_slice %arg2[%dma_wait3A_13, %dma_wait3A_14] : memref<251904x128xf32, #tpu.memory_space<hbm>> -> memref<251904x128xf32, #tpu.memory_space<hbm>>
    tpu.wait_indirect_dma semaphore(%arg8 : memref<!tpu.dma_semaphore, #tpu.memory_space<semaphore_mem>>) src(%dma_wait3A_15 : memref<251904x128xf32, #tpu.memory_space<hbm>>) dst(%arg6 : memref<256x128xf32, #tpu.memory_space<vmem>>)
    %mul3A_16 = arith.constant 512 : i32
    %mul3A_17 = arith.muli %add3A, %mul3A_16 : i32
    %add3A_18 = arith.constant 0 : i32
    %add3A_19 = arith.addi %add3A_18, %mul3A_17 : i32
    %add3A_20 = arith.constant 0 : i32
    %add3A_21 = arith.addi %add3A_19, %add3A_20 : i32
    "tpu.region"() ({
      %run_scoped3A = tpu.sem_alloc : memref<!tpu.dma_semaphore, #tpu.memory_space<semaphore_mem>>
      %dma_start3A_353 = arith.constant 0 : i32
      %dma_start3A_354 = tpu.memref_slice %arg4[%add3A_21, %dma_start3A_353] : memref<180224x128xf32, #tpu.memory_space<hbm>> -> memref<256x128xf32, #tpu.memory_space<hbm>>
      %dma_start3A_355 = arith.constant 0 : i32
      %dma_start3A_356 = tpu.memref_slice %arg4[%add3A_21, %dma_start3A_355] : memref<180224x128xf32, #tpu.memory_space<hbm>> -> memref<256x128xf32, #tpu.memory_space<hbm>>
      tpu.enqueue_dma source(%arg6 : memref<256x128xf32, #tpu.memory_space<vmem>>) target(%dma_start3A_356 : memref<256x128xf32, #tpu.memory_space<hbm>>) target_semaphore(%run_scoped3A : memref<!tpu.dma_semaphore, #tpu.memory_space<semaphore_mem>>)
      %dma_wait3A_357 = arith.constant 0 : i32
      %dma_wait3A_358 = tpu.memref_slice %arg4[%add3A_21, %dma_wait3A_357] : memref<180224x128xf32, #tpu.memory_space<hbm>> -> memref<256x128xf32, #tpu.memory_space<hbm>>
      %dma_wait3A_359 = arith.constant 0 : i32
      %dma_wait3A_360 = tpu.memref_slice %arg4[%add3A_21, %dma_wait3A_359] : memref<180224x128xf32, #tpu.memory_space<hbm>> -> memref<256x128xf32, #tpu.memory_space<hbm>>
      tpu.wait_dma2 semaphore(%run_scoped3A : memref<!tpu.dma_semaphore, #tpu.memory_space<semaphore_mem>>) src(%arg6 : memref<256x128xf32, #tpu.memory_space<vmem>>) dst(%dma_wait3A_360 : memref<256x128xf32, #tpu.memory_space<hbm>>)
      tpu.yield
    }) : () -> ()
    %dma_start3A_22 = arith.constant 512 : i32
    %dma_start3A_23 = tpu.memref_slice %arg5[%dma_start3A_22] : memref<5632xi32, #tpu.memory_space<vmem>> -> memref<256xi32, #tpu.memory_space<vmem>>
    %dma_start3A_24 = arith.constant 0 : i32
    %dma_start3A_25 = arith.constant 0 : i32
    %dma_start3A_26 = tpu.memref_slice %arg2[%dma_start3A_24, %dma_start3A_25] : memref<251904x128xf32, #tpu.memory_space<hbm>> -> memref<251904x128xf32, #tpu.memory_space<hbm>>
    tpu.enqueue_indirect_dma source(%dma_start3A_26 : memref<251904x128xf32, #tpu.memory_space<hbm>>) target(%arg6 : memref<256x128xf32, #tpu.memory_space<vmem>>) offsets(%dma_start3A_23 : memref<256xi32, #tpu.memory_space<vmem>>) semaphore(%arg8 : memref<!tpu.dma_semaphore, #tpu.memory_space<semaphore_mem>>)
    %dma_wait3A_27 = arith.constant 256 : i32
    %dma_wait3A_28 = tpu.memref_slice %arg5[%dma_wait3A_27] : memref<5632xi32, #tpu.memory_space<vmem>> -> memref<256xi32, #tpu.memory_space<vmem>>
    %dma_wait3A_29 = arith.constant 0 : i32
    %dma_wait3A_30 = arith.constant 0 : i32
    %dma_wait3A_31 = tpu.memref_slice %arg2[%dma_wait3A_29, %dma_wait3A_30] : memref<251904x128xf32, #tpu.memory_space<hbm>> -> memref<251904x128xf32, #tpu.memory_space<hbm>>
    tpu.wait_indirect_dma semaphore(%arg9 : memref<!tpu.dma_semaphore, #tpu.memory_space<semaphore_mem>>) src(%dma_wait3A_31 : memref<251904x128xf32, #tpu.memory_space<hbm>>) dst(%arg7 : memref<256x128xf32, #tpu.memory_space<vmem>>)
    %mul3A_32 = arith.constant 512 : i32
    %mul3A_33 = arith.muli %add3A, %mul3A_32 : i32
    %add3A_34 = arith.constant 0 : i32
    %add3A_35 = arith.addi %add3A_34, %mul3A_33 : i32
    %add3A_36 = arith.constant 256 : i32
    %add3A_37 = arith.addi %add3A_35, %add3A_36 : i32
    "tpu.region"() ({
      %run_scoped3A = tpu.sem_alloc : memref<!tpu.dma_semaphore, #tpu.memory_space<semaphore_mem>>
      %dma_start3A_353 = arith.constant 0 : i32
      %dma_start3A_354 = tpu.memref_slice %arg4[%add3A_37, %dma_start3A_353] : memref<180224x128xf32, #tpu.memory_space<hbm>> -> memref<256x128xf32, #tpu.memory_space<hbm>>
      %dma_start3A_355 = arith.constant 0 : i32
      %dma_start3A_356 = tpu.memref_slice %arg4[%add3A_37, %dma_start3A_355] : memref<180224x128xf32, #tpu.memory_space<hbm>> -> memref<256x128xf32, #tpu.memory_space<hbm>>
      tpu.enqueue_dma source(%arg7 : memref<256x128xf32, #tpu.memory_space<vmem>>) target(%dma_start3A_356 : memref<256x128xf32, #tpu.memory_space<hbm>>) target_semaphore(%run_scoped3A : memref<!tpu.dma_semaphore, #tpu.memory_space<semaphore_mem>>)
      %dma_wait3A_357 = arith.constant 0 : i32
      %dma_wait3A_358 = tpu.memref_slice %arg4[%add3A_37, %dma_wait3A_357] : memref<180224x128xf32, #tpu.memory_space<hbm>> -> memref<256x128xf32, #tpu.memory_space<hbm>>
      %dma_wait3A_359 = arith.constant 0 : i32
      %dma_wait3A_360 = tpu.memref_slice %arg4[%add3A_37, %dma_wait3A_359] : memref<180224x128xf32, #tpu.memory_space<hbm>> -> memref<256x128xf32, #tpu.memory_space<hbm>>
      tpu.wait_dma2 semaphore(%run_scoped3A : memref<!tpu.dma_semaphore, #tpu.memory_space<semaphore_mem>>) src(%arg7 : memref<256x128xf32, #tpu.memory_space<vmem>>) dst(%dma_wait3A_360 : memref<256x128xf32, #tpu.memory_space<hbm>>)
      tpu.yield
    }) : () -> ()
    %dma_start3A_38 = arith.constant 768 : i32
    %dma_start3A_39 = tpu.memref_slice %arg5[%dma_start3A_38] : memref<5632xi32, #tpu.memory_space<vmem>> -> memref<256xi32, #tpu.memory_space<vmem>>
    %dma_start3A_40 = arith.constant 0 : i32
    %dma_start3A_41 = arith.constant 0 : i32
    %dma_start3A_42 = tpu.memref_slice %arg2[%dma_start3A_40, %dma_start3A_41] : memref<251904x128xf32, #tpu.memory_space<hbm>> -> memref<251904x128xf32, #tpu.memory_space<hbm>>
    tpu.enqueue_indirect_dma source(%dma_start3A_42 : memref<251904x128xf32, #tpu.memory_space<hbm>>) target(%arg7 : memref<256x128xf32, #tpu.memory_space<vmem>>) offsets(%dma_start3A_39 : memref<256xi32, #tpu.memory_space<vmem>>) semaphore(%arg9 : memref<!tpu.dma_semaphore, #tpu.memory_space<semaphore_mem>>)
    %dma_wait3A_43 = arith.constant 512 : i32
    %dma_wait3A_44 = tpu.memref_slice %arg5[%dma_wait3A_43] : memref<5632xi32, #tpu.memory_space<vmem>> -> memref<256xi32, #tpu.memory_space<vmem>>
    %dma_wait3A_45 = arith.constant 0 : i32
    %dma_wait3A_46 = arith.constant 0 : i32
    %dma_wait3A_47 = tpu.memref_slice %arg2[%dma_wait3A_45, %dma_wait3A_46] : memref<251904x128xf32, #tpu.memory_space<hbm>> -> memref<251904x128xf32, #tpu.memory_space<hbm>>
    tpu.wait_indirect_dma semaphore(%arg8 : memref<!tpu.dma_semaphore, #tpu.memory_space<semaphore_mem>>) src(%dma_wait3A_47 : memref<251904x128xf32, #tpu.memory_space<hbm>>) dst(%arg6 : memref<256x128xf32, #tpu.memory_space<vmem>>)
    %mul3A_48 = arith.constant 512 : i32
    %mul3A_49 = arith.muli %add3A, %mul3A_48 : i32
    %add3A_50 = arith.constant 16384 : i32
    %add3A_51 = arith.addi %add3A_50, %mul3A_49 : i32
    %add3A_52 = arith.constant 0 : i32
    %add3A_53 = arith.addi %add3A_51, %add3A_52 : i32
    "tpu.region"() ({
      %run_scoped3A = tpu.sem_alloc : memref<!tpu.dma_semaphore, #tpu.memory_space<semaphore_mem>>
      %dma_start3A_353 = arith.constant 0 : i32
      %dma_start3A_354 = tpu.memref_slice %arg4[%add3A_53, %dma_start3A_353] : memref<180224x128xf32, #tpu.memory_space<hbm>> -> memref<256x128xf32, #tpu.memory_space<hbm>>
      %dma_start3A_355 = arith.constant 0 : i32
      %dma_start3A_356 = tpu.memref_slice %arg4[%add3A_53, %dma_start3A_355] : memref<180224x128xf32, #tpu.memory_space<hbm>> -> memref<256x128xf32, #tpu.memory_space<hbm>>
      tpu.enqueue_dma source(%arg6 : memref<256x128xf32, #tpu.memory_space<vmem>>) target(%dma_start3A_356 : memref<256x128xf32, #tpu.memory_space<hbm>>) target_semaphore(%run_scoped3A : memref<!tpu.dma_semaphore, #tpu.memory_space<semaphore_mem>>)
      %dma_wait3A_357 = arith.constant 0 : i32
      %dma_wait3A_358 = tpu.memref_slice %arg4[%add3A_53, %dma_wait3A_357] : memref<180224x128xf32, #tpu.memory_space<hbm>> -> memref<256x128xf32, #tpu.memory_space<hbm>>
      %dma_wait3A_359 = arith.constant 0 : i32
      %dma_wait3A_360 = tpu.memref_slice %arg4[%add3A_53, %dma_wait3A_359] : memref<180224x128xf32, #tpu.memory_space<hbm>> -> memref<256x128xf32, #tpu.memory_space<hbm>>
      tpu.wait_dma2 semaphore(%run_scoped3A : memref<!tpu.dma_semaphore, #tpu.memory_space<semaphore_mem>>) src(%arg6 : memref<256x128xf32, #tpu.memory_space<vmem>>) dst(%dma_wait3A_360 : memref<256x128xf32, #tpu.memory_space<hbm>>)
      tpu.yield
    }) : () -> ()
    %dma_start3A_54 = arith.constant 1024 : i32
    %dma_start3A_55 = tpu.memref_slice %arg5[%dma_start3A_54] : memref<5632xi32, #tpu.memory_space<vmem>> -> memref<256xi32, #tpu.memory_space<vmem>>
    %dma_start3A_56 = arith.constant 0 : i32
    %dma_start3A_57 = arith.constant 0 : i32
    %dma_start3A_58 = tpu.memref_slice %arg2[%dma_start3A_56, %dma_start3A_57] : memref<251904x128xf32, #tpu.memory_space<hbm>> -> memref<251904x128xf32, #tpu.memory_space<hbm>>
    tpu.enqueue_indirect_dma source(%dma_start3A_58 : memref<251904x128xf32, #tpu.memory_space<hbm>>) target(%arg6 : memref<256x128xf32, #tpu.memory_space<vmem>>) offsets(%dma_start3A_55 : memref<256xi32, #tpu.memory_space<vmem>>) semaphore(%arg8 : memref<!tpu.dma_semaphore, #tpu.memory_space<semaphore_mem>>)
    %dma_wait3A_59 = arith.constant 768 : i32
    %dma_wait3A_60 = tpu.memref_slice %arg5[%dma_wait3A_59] : memref<5632xi32, #tpu.memory_space<vmem>> -> memref<256xi32, #tpu.memory_space<vmem>>
    %dma_wait3A_61 = arith.constant 0 : i32
    %dma_wait3A_62 = arith.constant 0 : i32
    %dma_wait3A_63 = tpu.memref_slice %arg2[%dma_wait3A_61, %dma_wait3A_62] : memref<251904x128xf32, #tpu.memory_space<hbm>> -> memref<251904x128xf32, #tpu.memory_space<hbm>>
    tpu.wait_indirect_dma semaphore(%arg9 : memref<!tpu.dma_semaphore, #tpu.memory_space<semaphore_mem>>) src(%dma_wait3A_63 : memref<251904x128xf32, #tpu.memory_space<hbm>>) dst(%arg7 : memref<256x128xf32, #tpu.memory_space<vmem>>)
    %mul3A_64 = arith.constant 512 : i32
    %mul3A_65 = arith.muli %add3A, %mul3A_64 : i32
    %add3A_66 = arith.constant 16384 : i32
    %add3A_67 = arith.addi %add3A_66, %mul3A_65 : i32
    %add3A_68 = arith.constant 256 : i32
    %add3A_69 = arith.addi %add3A_67, %add3A_68 : i32
    "tpu.region"() ({
      %run_scoped3A = tpu.sem_alloc : memref<!tpu.dma_semaphore, #tpu.memory_space<semaphore_mem>>
      %dma_start3A_353 = arith.constant 0 : i32
      %dma_start3A_354 = tpu.memref_slice %arg4[%add3A_69, %dma_start3A_353] : memref<180224x128xf32, #tpu.memory_space<hbm>> -> memref<256x128xf32, #tpu.memory_space<hbm>>
      %dma_start3A_355 = arith.constant 0 : i32
      %dma_start3A_356 = tpu.memref_slice %arg4[%add3A_69, %dma_start3A_355] : memref<180224x128xf32, #tpu.memory_space<hbm>> -> memref<256x128xf32, #tpu.memory_space<hbm>>
      tpu.enqueue_dma source(%arg7 : memref<256x128xf32, #tpu.memory_space<vmem>>) target(%dma_start3A_356 : memref<256x128xf32, #tpu.memory_space<hbm>>) target_semaphore(%run_scoped3A : memref<!tpu.dma_semaphore, #tpu.memory_space<semaphore_mem>>)
      %dma_wait3A_357 = arith.constant 0 : i32
      %dma_wait3A_358 = tpu.memref_slice %arg4[%add3A_69, %dma_wait3A_357] : memref<180224x128xf32, #tpu.memory_space<hbm>> -> memref<256x128xf32, #tpu.memory_space<hbm>>
      %dma_wait3A_359 = arith.constant 0 : i32
      %dma_wait3A_360 = tpu.memref_slice %arg4[%add3A_69, %dma_wait3A_359] : memref<180224x128xf32, #tpu.memory_space<hbm>> -> memref<256x128xf32, #tpu.memory_space<hbm>>
      tpu.wait_dma2 semaphore(%run_scoped3A : memref<!tpu.dma_semaphore, #tpu.memory_space<semaphore_mem>>) src(%arg7 : memref<256x128xf32, #tpu.memory_space<vmem>>) dst(%dma_wait3A_360 : memref<256x128xf32, #tpu.memory_space<hbm>>)
      tpu.yield
    }) : () -> ()
    %dma_start3A_70 = arith.constant 1280 : i32
    %dma_start3A_71 = tpu.memref_slice %arg5[%dma_start3A_70] : memref<5632xi32, #tpu.memory_space<vmem>> -> memref<256xi32, #tpu.memory_space<vmem>>
    %dma_start3A_72 = arith.constant 0 : i32
    %dma_start3A_73 = arith.constant 0 : i32
    %dma_start3A_74 = tpu.memref_slice %arg2[%dma_start3A_72, %dma_start3A_73] : memref<251904x128xf32, #tpu.memory_space<hbm>> -> memref<251904x128xf32, #tpu.memory_space<hbm>>
    tpu.enqueue_indirect_dma source(%dma_start3A_74 : memref<251904x128xf32, #tpu.memory_space<hbm>>) target(%arg7 : memref<256x128xf32, #tpu.memory_space<vmem>>) offsets(%dma_start3A_71 : memref<256xi32, #tpu.memory_space<vmem>>) semaphore(%arg9 : memref<!tpu.dma_semaphore, #tpu.memory_space<semaphore_mem>>)
    %dma_wait3A_75 = arith.constant 1024 : i32
    %dma_wait3A_76 = tpu.memref_slice %arg5[%dma_wait3A_75] : memref<5632xi32, #tpu.memory_space<vmem>> -> memref<256xi32, #tpu.memory_space<vmem>>
    %dma_wait3A_77 = arith.constant 0 : i32
    %dma_wait3A_78 = arith.constant 0 : i32
    %dma_wait3A_79 = tpu.memref_slice %arg2[%dma_wait3A_77, %dma_wait3A_78] : memref<251904x128xf32, #tpu.memory_space<hbm>> -> memref<251904x128xf32, #tpu.memory_space<hbm>>
    tpu.wait_indirect_dma semaphore(%arg8 : memref<!tpu.dma_semaphore, #tpu.memory_space<semaphore_mem>>) src(%dma_wait3A_79 : memref<251904x128xf32, #tpu.memory_space<hbm>>) dst(%arg6 : memref<256x128xf32, #tpu.memory_space<vmem>>)
    %mul3A_80 = arith.constant 512 : i32
    %mul3A_81 = arith.muli %add3A, %mul3A_80 : i32
    %add3A_82 = arith.constant 32768 : i32
    %add3A_83 = arith.addi %add3A_82, %mul3A_81 : i32
    %add3A_84 = arith.constant 0 : i32
    %add3A_85 = arith.addi %add3A_83, %add3A_84 : i32
    "tpu.region"() ({
      %run_scoped3A = tpu.sem_alloc : memref<!tpu.dma_semaphore, #tpu.memory_space<semaphore_mem>>
      %dma_start3A_353 = arith.constant 0 : i32
      %dma_start3A_354 = tpu.memref_slice %arg4[%add3A_85, %dma_start3A_353] : memref<180224x128xf32, #tpu.memory_space<hbm>> -> memref<256x128xf32, #tpu.memory_space<hbm>>
      %dma_start3A_355 = arith.constant 0 : i32
      %dma_start3A_356 = tpu.memref_slice %arg4[%add3A_85, %dma_start3A_355] : memref<180224x128xf32, #tpu.memory_space<hbm>> -> memref<256x128xf32, #tpu.memory_space<hbm>>
      tpu.enqueue_dma source(%arg6 : memref<256x128xf32, #tpu.memory_space<vmem>>) target(%dma_start3A_356 : memref<256x128xf32, #tpu.memory_space<hbm>>) target_semaphore(%run_scoped3A : memref<!tpu.dma_semaphore, #tpu.memory_space<semaphore_mem>>)
      %dma_wait3A_357 = arith.constant 0 : i32
      %dma_wait3A_358 = tpu.memref_slice %arg4[%add3A_85, %dma_wait3A_357] : memref<180224x128xf32, #tpu.memory_space<hbm>> -> memref<256x128xf32, #tpu.memory_space<hbm>>
      %dma_wait3A_359 = arith.constant 0 : i32
      %dma_wait3A_360 = tpu.memref_slice %arg4[%add3A_85, %dma_wait3A_359] : memref<180224x128xf32, #tpu.memory_space<hbm>> -> memref<256x128xf32, #tpu.memory_space<hbm>>
      tpu.wait_dma2 semaphore(%run_scoped3A : memref<!tpu.dma_semaphore, #tpu.memory_space<semaphore_mem>>) src(%arg6 : memref<256x128xf32, #tpu.memory_space<vmem>>) dst(%dma_wait3A_360 : memref<256x128xf32, #tpu.memory_space<hbm>>)
      tpu.yield
    }) : () -> ()
    %dma_start3A_86 = arith.constant 1536 : i32
    %dma_start3A_87 = tpu.memref_slice %arg5[%dma_start3A_86] : memref<5632xi32, #tpu.memory_space<vmem>> -> memref<256xi32, #tpu.memory_space<vmem>>
    %dma_start3A_88 = arith.constant 0 : i32
    %dma_start3A_89 = arith.constant 0 : i32
    %dma_start3A_90 = tpu.memref_slice %arg2[%dma_start3A_88, %dma_start3A_89] : memref<251904x128xf32, #tpu.memory_space<hbm>> -> memref<251904x128xf32, #tpu.memory_space<hbm>>
    tpu.enqueue_indirect_dma source(%dma_start3A_90 : memref<251904x128xf32, #tpu.memory_space<hbm>>) target(%arg6 : memref<256x128xf32, #tpu.memory_space<vmem>>) offsets(%dma_start3A_87 : memref<256xi32, #tpu.memory_space<vmem>>) semaphore(%arg8 : memref<!tpu.dma_semaphore, #tpu.memory_space<semaphore_mem>>)
    %dma_wait3A_91 = arith.constant 1280 : i32
    %dma_wait3A_92 = tpu.memref_slice %arg5[%dma_wait3A_91] : memref<5632xi32, #tpu.memory_space<vmem>> -> memref<256xi32, #tpu.memory_space<vmem>>
    %dma_wait3A_93 = arith.constant 0 : i32
    %dma_wait3A_94 = arith.constant 0 : i32
    %dma_wait3A_95 = tpu.memref_slice %arg2[%dma_wait3A_93, %dma_wait3A_94] : memref<251904x128xf32, #tpu.memory_space<hbm>> -> memref<251904x128xf32, #tpu.memory_space<hbm>>
    tpu.wait_indirect_dma semaphore(%arg9 : memref<!tpu.dma_semaphore, #tpu.memory_space<semaphore_mem>>) src(%dma_wait3A_95 : memref<251904x128xf32, #tpu.memory_space<hbm>>) dst(%arg7 : memref<256x128xf32, #tpu.memory_space<vmem>>)
    %mul3A_96 = arith.constant 512 : i32
    %mul3A_97 = arith.muli %add3A, %mul3A_96 : i32
    %add3A_98 = arith.constant 32768 : i32
    %add3A_99 = arith.addi %add3A_98, %mul3A_97 : i32
    %add3A_100 = arith.constant 256 : i32
    %add3A_101 = arith.addi %add3A_99, %add3A_100 : i32
    "tpu.region"() ({
      %run_scoped3A = tpu.sem_alloc : memref<!tpu.dma_semaphore, #tpu.memory_space<semaphore_mem>>
      %dma_start3A_353 = arith.constant 0 : i32
      %dma_start3A_354 = tpu.memref_slice %arg4[%add3A_101, %dma_start3A_353] : memref<180224x128xf32, #tpu.memory_space<hbm>> -> memref<256x128xf32, #tpu.memory_space<hbm>>
      %dma_start3A_355 = arith.constant 0 : i32
      %dma_start3A_356 = tpu.memref_slice %arg4[%add3A_101, %dma_start3A_355] : memref<180224x128xf32, #tpu.memory_space<hbm>> -> memref<256x128xf32, #tpu.memory_space<hbm>>
      tpu.enqueue_dma source(%arg7 : memref<256x128xf32, #tpu.memory_space<vmem>>) target(%dma_start3A_356 : memref<256x128xf32, #tpu.memory_space<hbm>>) target_semaphore(%run_scoped3A : memref<!tpu.dma_semaphore, #tpu.memory_space<semaphore_mem>>)
      %dma_wait3A_357 = arith.constant 0 : i32
      %dma_wait3A_358 = tpu.memref_slice %arg4[%add3A_101, %dma_wait3A_357] : memref<180224x128xf32, #tpu.memory_space<hbm>> -> memref<256x128xf32, #tpu.memory_space<hbm>>
      %dma_wait3A_359 = arith.constant 0 : i32
      %dma_wait3A_360 = tpu.memref_slice %arg4[%add3A_101, %dma_wait3A_359] : memref<180224x128xf32, #tpu.memory_space<hbm>> -> memref<256x128xf32, #tpu.memory_space<hbm>>
      tpu.wait_dma2 semaphore(%run_scoped3A : memref<!tpu.dma_semaphore, #tpu.memory_space<semaphore_mem>>) src(%arg7 : memref<256x128xf32, #tpu.memory_space<vmem>>) dst(%dma_wait3A_360 : memref<256x128xf32, #tpu.memory_space<hbm>>)
      tpu.yield
    }) : () -> ()
    %dma_start3A_102 = arith.constant 1792 : i32
    %dma_start3A_103 = tpu.memref_slice %arg5[%dma_start3A_102] : memref<5632xi32, #tpu.memory_space<vmem>> -> memref<256xi32, #tpu.memory_space<vmem>>
    %dma_start3A_104 = arith.constant 0 : i32
    %dma_start3A_105 = arith.constant 0 : i32
    %dma_start3A_106 = tpu.memref_slice %arg2[%dma_start3A_104, %dma_start3A_105] : memref<251904x128xf32, #tpu.memory_space<hbm>> -> memref<251904x128xf32, #tpu.memory_space<hbm>>
    tpu.enqueue_indirect_dma source(%dma_start3A_106 : memref<251904x128xf32, #tpu.memory_space<hbm>>) target(%arg7 : memref<256x128xf32, #tpu.memory_space<vmem>>) offsets(%dma_start3A_103 : memref<256xi32, #tpu.memory_space<vmem>>) semaphore(%arg9 : memref<!tpu.dma_semaphore, #tpu.memory_space<semaphore_mem>>)
    %dma_wait3A_107 = arith.constant 1536 : i32
    %dma_wait3A_108 = tpu.memref_slice %arg5[%dma_wait3A_107] : memref<5632xi32, #tpu.memory_space<vmem>> -> memref<256xi32, #tpu.memory_space<vmem>>
    %dma_wait3A_109 = arith.constant 0 : i32
    %dma_wait3A_110 = arith.constant 0 : i32
    %dma_wait3A_111 = tpu.memref_slice %arg2[%dma_wait3A_109, %dma_wait3A_110] : memref<251904x128xf32, #tpu.memory_space<hbm>> -> memref<251904x128xf32, #tpu.memory_space<hbm>>
    tpu.wait_indirect_dma semaphore(%arg8 : memref<!tpu.dma_semaphore, #tpu.memory_space<semaphore_mem>>) src(%dma_wait3A_111 : memref<251904x128xf32, #tpu.memory_space<hbm>>) dst(%arg6 : memref<256x128xf32, #tpu.memory_space<vmem>>)
    %mul3A_112 = arith.constant 512 : i32
    %mul3A_113 = arith.muli %add3A, %mul3A_112 : i32
    %add3A_114 = arith.constant 49152 : i32
    %add3A_115 = arith.addi %add3A_114, %mul3A_113 : i32
    %add3A_116 = arith.constant 0 : i32
    %add3A_117 = arith.addi %add3A_115, %add3A_116 : i32
    "tpu.region"() ({
      %run_scoped3A = tpu.sem_alloc : memref<!tpu.dma_semaphore, #tpu.memory_space<semaphore_mem>>
      %dma_start3A_353 = arith.constant 0 : i32
      %dma_start3A_354 = tpu.memref_slice %arg4[%add3A_117, %dma_start3A_353] : memref<180224x128xf32, #tpu.memory_space<hbm>> -> memref<256x128xf32, #tpu.memory_space<hbm>>
      %dma_start3A_355 = arith.constant 0 : i32
      %dma_start3A_356 = tpu.memref_slice %arg4[%add3A_117, %dma_start3A_355] : memref<180224x128xf32, #tpu.memory_space<hbm>> -> memref<256x128xf32, #tpu.memory_space<hbm>>
      tpu.enqueue_dma source(%arg6 : memref<256x128xf32, #tpu.memory_space<vmem>>) target(%dma_start3A_356 : memref<256x128xf32, #tpu.memory_space<hbm>>) target_semaphore(%run_scoped3A : memref<!tpu.dma_semaphore, #tpu.memory_space<semaphore_mem>>)
      %dma_wait3A_357 = arith.constant 0 : i32
      %dma_wait3A_358 = tpu.memref_slice %arg4[%add3A_117, %dma_wait3A_357] : memref<180224x128xf32, #tpu.memory_space<hbm>> -> memref<256x128xf32, #tpu.memory_space<hbm>>
      %dma_wait3A_359 = arith.constant 0 : i32
      %dma_wait3A_360 = tpu.memref_slice %arg4[%add3A_117, %dma_wait3A_359] : memref<180224x128xf32, #tpu.memory_space<hbm>> -> memref<256x128xf32, #tpu.memory_space<hbm>>
      tpu.wait_dma2 semaphore(%run_scoped3A : memref<!tpu.dma_semaphore, #tpu.memory_space<semaphore_mem>>) src(%arg6 : memref<256x128xf32, #tpu.memory_space<vmem>>) dst(%dma_wait3A_360 : memref<256x128xf32, #tpu.memory_space<hbm>>)
      tpu.yield
    }) : () -> ()
    %dma_start3A_118 = arith.constant 2048 : i32
    %dma_start3A_119 = tpu.memref_slice %arg5[%dma_start3A_118] : memref<5632xi32, #tpu.memory_space<vmem>> -> memref<256xi32, #tpu.memory_space<vmem>>
    %dma_start3A_120 = arith.constant 0 : i32
    %dma_start3A_121 = arith.constant 0 : i32
    %dma_start3A_122 = tpu.memref_slice %arg2[%dma_start3A_120, %dma_start3A_121] : memref<251904x128xf32, #tpu.memory_space<hbm>> -> memref<251904x128xf32, #tpu.memory_space<hbm>>
    tpu.enqueue_indirect_dma source(%dma_start3A_122 : memref<251904x128xf32, #tpu.memory_space<hbm>>) target(%arg6 : memref<256x128xf32, #tpu.memory_space<vmem>>) offsets(%dma_start3A_119 : memref<256xi32, #tpu.memory_space<vmem>>) semaphore(%arg8 : memref<!tpu.dma_semaphore, #tpu.memory_space<semaphore_mem>>)
    %dma_wait3A_123 = arith.constant 1792 : i32
    %dma_wait3A_124 = tpu.memref_slice %arg5[%dma_wait3A_123] : memref<5632xi32, #tpu.memory_space<vmem>> -> memref<256xi32, #tpu.memory_space<vmem>>
    %dma_wait3A_125 = arith.constant 0 : i32
    %dma_wait3A_126 = arith.constant 0 : i32
    %dma_wait3A_127 = tpu.memref_slice %arg2[%dma_wait3A_125, %dma_wait3A_126] : memref<251904x128xf32, #tpu.memory_space<hbm>> -> memref<251904x128xf32, #tpu.memory_space<hbm>>
    tpu.wait_indirect_dma semaphore(%arg9 : memref<!tpu.dma_semaphore, #tpu.memory_space<semaphore_mem>>) src(%dma_wait3A_127 : memref<251904x128xf32, #tpu.memory_space<hbm>>) dst(%arg7 : memref<256x128xf32, #tpu.memory_space<vmem>>)
    %mul3A_128 = arith.constant 512 : i32
    %mul3A_129 = arith.muli %add3A, %mul3A_128 : i32
    %add3A_130 = arith.constant 49152 : i32
    %add3A_131 = arith.addi %add3A_130, %mul3A_129 : i32
    %add3A_132 = arith.constant 256 : i32
    %add3A_133 = arith.addi %add3A_131, %add3A_132 : i32
    "tpu.region"() ({
      %run_scoped3A = tpu.sem_alloc : memref<!tpu.dma_semaphore, #tpu.memory_space<semaphore_mem>>
      %dma_start3A_353 = arith.constant 0 : i32
      %dma_start3A_354 = tpu.memref_slice %arg4[%add3A_133, %dma_start3A_353] : memref<180224x128xf32, #tpu.memory_space<hbm>> -> memref<256x128xf32, #tpu.memory_space<hbm>>
      %dma_start3A_355 = arith.constant 0 : i32
      %dma_start3A_356 = tpu.memref_slice %arg4[%add3A_133, %dma_start3A_355] : memref<180224x128xf32, #tpu.memory_space<hbm>> -> memref<256x128xf32, #tpu.memory_space<hbm>>
      tpu.enqueue_dma source(%arg7 : memref<256x128xf32, #tpu.memory_space<vmem>>) target(%dma_start3A_356 : memref<256x128xf32, #tpu.memory_space<hbm>>) target_semaphore(%run_scoped3A : memref<!tpu.dma_semaphore, #tpu.memory_space<semaphore_mem>>)
      %dma_wait3A_357 = arith.constant 0 : i32
      %dma_wait3A_358 = tpu.memref_slice %arg4[%add3A_133, %dma_wait3A_357] : memref<180224x128xf32, #tpu.memory_space<hbm>> -> memref<256x128xf32, #tpu.memory_space<hbm>>
      %dma_wait3A_359 = arith.constant 0 : i32
      %dma_wait3A_360 = tpu.memref_slice %arg4[%add3A_133, %dma_wait3A_359] : memref<180224x128xf32, #tpu.memory_space<hbm>> -> memref<256x128xf32, #tpu.memory_space<hbm>>
      tpu.wait_dma2 semaphore(%run_scoped3A : memref<!tpu.dma_semaphore, #tpu.memory_space<semaphore_mem>>) src(%arg7 : memref<256x128xf32, #tpu.memory_space<vmem>>) dst(%dma_wait3A_360 : memref<256x128xf32, #tpu.memory_space<hbm>>)
      tpu.yield
    }) : () -> ()
    %dma_start3A_134 = arith.constant 2304 : i32
    %dma_start3A_135 = tpu.memref_slice %arg5[%dma_start3A_134] : memref<5632xi32, #tpu.memory_space<vmem>> -> memref<256xi32, #tpu.memory_space<vmem>>
    %dma_start3A_136 = arith.constant 0 : i32
    %dma_start3A_137 = arith.constant 0 : i32
    %dma_start3A_138 = tpu.memref_slice %arg2[%dma_start3A_136, %dma_start3A_137] : memref<251904x128xf32, #tpu.memory_space<hbm>> -> memref<251904x128xf32, #tpu.memory_space<hbm>>
    tpu.enqueue_indirect_dma source(%dma_start3A_138 : memref<251904x128xf32, #tpu.memory_space<hbm>>) target(%arg7 : memref<256x128xf32, #tpu.memory_space<vmem>>) offsets(%dma_start3A_135 : memref<256xi32, #tpu.memory_space<vmem>>) semaphore(%arg9 : memref<!tpu.dma_semaphore, #tpu.memory_space<semaphore_mem>>)
    %dma_wait3A_139 = arith.constant 2048 : i32
    %dma_wait3A_140 = tpu.memref_slice %arg5[%dma_wait3A_139] : memref<5632xi32, #tpu.memory_space<vmem>> -> memref<256xi32, #tpu.memory_space<vmem>>
    %dma_wait3A_141 = arith.constant 0 : i32
    %dma_wait3A_142 = arith.constant 0 : i32
    %dma_wait3A_143 = tpu.memref_slice %arg2[%dma_wait3A_141, %dma_wait3A_142] : memref<251904x128xf32, #tpu.memory_space<hbm>> -> memref<251904x128xf32, #tpu.memory_space<hbm>>
    tpu.wait_indirect_dma semaphore(%arg8 : memref<!tpu.dma_semaphore, #tpu.memory_space<semaphore_mem>>) src(%dma_wait3A_143 : memref<251904x128xf32, #tpu.memory_space<hbm>>) dst(%arg6 : memref<256x128xf32, #tpu.memory_space<vmem>>)
    %mul3A_144 = arith.constant 512 : i32
    %mul3A_145 = arith.muli %add3A, %mul3A_144 : i32
    %add3A_146 = arith.constant 65536 : i32
    %add3A_147 = arith.addi %add3A_146, %mul3A_145 : i32
    %add3A_148 = arith.constant 0 : i32
    %add3A_149 = arith.addi %add3A_147, %add3A_148 : i32
    "tpu.region"() ({
      %run_scoped3A = tpu.sem_alloc : memref<!tpu.dma_semaphore, #tpu.memory_space<semaphore_mem>>
      %dma_start3A_353 = arith.constant 0 : i32
      %dma_start3A_354 = tpu.memref_slice %arg4[%add3A_149, %dma_start3A_353] : memref<180224x128xf32, #tpu.memory_space<hbm>> -> memref<256x128xf32, #tpu.memory_space<hbm>>
      %dma_start3A_355 = arith.constant 0 : i32
      %dma_start3A_356 = tpu.memref_slice %arg4[%add3A_149, %dma_start3A_355] : memref<180224x128xf32, #tpu.memory_space<hbm>> -> memref<256x128xf32, #tpu.memory_space<hbm>>
      tpu.enqueue_dma source(%arg6 : memref<256x128xf32, #tpu.memory_space<vmem>>) target(%dma_start3A_356 : memref<256x128xf32, #tpu.memory_space<hbm>>) target_semaphore(%run_scoped3A : memref<!tpu.dma_semaphore, #tpu.memory_space<semaphore_mem>>)
      %dma_wait3A_357 = arith.constant 0 : i32
      %dma_wait3A_358 = tpu.memref_slice %arg4[%add3A_149, %dma_wait3A_357] : memref<180224x128xf32, #tpu.memory_space<hbm>> -> memref<256x128xf32, #tpu.memory_space<hbm>>
      %dma_wait3A_359 = arith.constant 0 : i32
      %dma_wait3A_360 = tpu.memref_slice %arg4[%add3A_149, %dma_wait3A_359] : memref<180224x128xf32, #tpu.memory_space<hbm>> -> memref<256x128xf32, #tpu.memory_space<hbm>>
      tpu.wait_dma2 semaphore(%run_scoped3A : memref<!tpu.dma_semaphore, #tpu.memory_space<semaphore_mem>>) src(%arg6 : memref<256x128xf32, #tpu.memory_space<vmem>>) dst(%dma_wait3A_360 : memref<256x128xf32, #tpu.memory_space<hbm>>)
      tpu.yield
    }) : () -> ()
    %dma_start3A_150 = arith.constant 2560 : i32
    %dma_start3A_151 = tpu.memref_slice %arg5[%dma_start3A_150] : memref<5632xi32, #tpu.memory_space<vmem>> -> memref<256xi32, #tpu.memory_space<vmem>>
    %dma_start3A_152 = arith.constant 0 : i32
    %dma_start3A_153 = arith.constant 0 : i32
    %dma_start3A_154 = tpu.memref_slice %arg2[%dma_start3A_152, %dma_start3A_153] : memref<251904x128xf32, #tpu.memory_space<hbm>> -> memref<251904x128xf32, #tpu.memory_space<hbm>>
    tpu.enqueue_indirect_dma source(%dma_start3A_154 : memref<251904x128xf32, #tpu.memory_space<hbm>>) target(%arg6 : memref<256x128xf32, #tpu.memory_space<vmem>>) offsets(%dma_start3A_151 : memref<256xi32, #tpu.memory_space<vmem>>) semaphore(%arg8 : memref<!tpu.dma_semaphore, #tpu.memory_space<semaphore_mem>>)
    %dma_wait3A_155 = arith.constant 2304 : i32
    %dma_wait3A_156 = tpu.memref_slice %arg5[%dma_wait3A_155] : memref<5632xi32, #tpu.memory_space<vmem>> -> memref<256xi32, #tpu.memory_space<vmem>>
    %dma_wait3A_157 = arith.constant 0 : i32
    %dma_wait3A_158 = arith.constant 0 : i32
    %dma_wait3A_159 = tpu.memref_slice %arg2[%dma_wait3A_157, %dma_wait3A_158] : memref<251904x128xf32, #tpu.memory_space<hbm>> -> memref<251904x128xf32, #tpu.memory_space<hbm>>
    tpu.wait_indirect_dma semaphore(%arg9 : memref<!tpu.dma_semaphore, #tpu.memory_space<semaphore_mem>>) src(%dma_wait3A_159 : memref<251904x128xf32, #tpu.memory_space<hbm>>) dst(%arg7 : memref<256x128xf32, #tpu.memory_space<vmem>>)
    %mul3A_160 = arith.constant 512 : i32
    %mul3A_161 = arith.muli %add3A, %mul3A_160 : i32
    %add3A_162 = arith.constant 65536 : i32
    %add3A_163 = arith.addi %add3A_162, %mul3A_161 : i32
    %add3A_164 = arith.constant 256 : i32
    %add3A_165 = arith.addi %add3A_163, %add3A_164 : i32
    "tpu.region"() ({
      %run_scoped3A = tpu.sem_alloc : memref<!tpu.dma_semaphore, #tpu.memory_space<semaphore_mem>>
      %dma_start3A_353 = arith.constant 0 : i32
      %dma_start3A_354 = tpu.memref_slice %arg4[%add3A_165, %dma_start3A_353] : memref<180224x128xf32, #tpu.memory_space<hbm>> -> memref<256x128xf32, #tpu.memory_space<hbm>>
      %dma_start3A_355 = arith.constant 0 : i32
      %dma_start3A_356 = tpu.memref_slice %arg4[%add3A_165, %dma_start3A_355] : memref<180224x128xf32, #tpu.memory_space<hbm>> -> memref<256x128xf32, #tpu.memory_space<hbm>>
      tpu.enqueue_dma source(%arg7 : memref<256x128xf32, #tpu.memory_space<vmem>>) target(%dma_start3A_356 : memref<256x128xf32, #tpu.memory_space<hbm>>) target_semaphore(%run_scoped3A : memref<!tpu.dma_semaphore, #tpu.memory_space<semaphore_mem>>)
      %dma_wait3A_357 = arith.constant 0 : i32
      %dma_wait3A_358 = tpu.memref_slice %arg4[%add3A_165, %dma_wait3A_357] : memref<180224x128xf32, #tpu.memory_space<hbm>> -> memref<256x128xf32, #tpu.memory_space<hbm>>
      %dma_wait3A_359 = arith.constant 0 : i32
      %dma_wait3A_360 = tpu.memref_slice %arg4[%add3A_165, %dma_wait3A_359] : memref<180224x128xf32, #tpu.memory_space<hbm>> -> memref<256x128xf32, #tpu.memory_space<hbm>>
      tpu.wait_dma2 semaphore(%run_scoped3A : memref<!tpu.dma_semaphore, #tpu.memory_space<semaphore_mem>>) src(%arg7 : memref<256x128xf32, #tpu.memory_space<vmem>>) dst(%dma_wait3A_360 : memref<256x128xf32, #tpu.memory_space<hbm>>)
      tpu.yield
    }) : () -> ()
    %dma_start3A_166 = arith.constant 2816 : i32
    %dma_start3A_167 = tpu.memref_slice %arg5[%dma_start3A_166] : memref<5632xi32, #tpu.memory_space<vmem>> -> memref<256xi32, #tpu.memory_space<vmem>>
    %dma_start3A_168 = arith.constant 0 : i32
    %dma_start3A_169 = arith.constant 0 : i32
    %dma_start3A_170 = tpu.memref_slice %arg2[%dma_start3A_168, %dma_start3A_169] : memref<251904x128xf32, #tpu.memory_space<hbm>> -> memref<251904x128xf32, #tpu.memory_space<hbm>>
    tpu.enqueue_indirect_dma source(%dma_start3A_170 : memref<251904x128xf32, #tpu.memory_space<hbm>>) target(%arg7 : memref<256x128xf32, #tpu.memory_space<vmem>>) offsets(%dma_start3A_167 : memref<256xi32, #tpu.memory_space<vmem>>) semaphore(%arg9 : memref<!tpu.dma_semaphore, #tpu.memory_space<semaphore_mem>>)
    %dma_wait3A_171 = arith.constant 2560 : i32
    %dma_wait3A_172 = tpu.memref_slice %arg5[%dma_wait3A_171] : memref<5632xi32, #tpu.memory_space<vmem>> -> memref<256xi32, #tpu.memory_space<vmem>>
    %dma_wait3A_173 = arith.constant 0 : i32
    %dma_wait3A_174 = arith.constant 0 : i32
    %dma_wait3A_175 = tpu.memref_slice %arg2[%dma_wait3A_173, %dma_wait3A_174] : memref<251904x128xf32, #tpu.memory_space<hbm>> -> memref<251904x128xf32, #tpu.memory_space<hbm>>
    tpu.wait_indirect_dma semaphore(%arg8 : memref<!tpu.dma_semaphore, #tpu.memory_space<semaphore_mem>>) src(%dma_wait3A_175 : memref<251904x128xf32, #tpu.memory_space<hbm>>) dst(%arg6 : memref<256x128xf32, #tpu.memory_space<vmem>>)
    %mul3A_176 = arith.constant 512 : i32
    %mul3A_177 = arith.muli %add3A, %mul3A_176 : i32
    %add3A_178 = arith.constant 81920 : i32
    %add3A_179 = arith.addi %add3A_178, %mul3A_177 : i32
    %add3A_180 = arith.constant 0 : i32
    %add3A_181 = arith.addi %add3A_179, %add3A_180 : i32
    "tpu.region"() ({
      %run_scoped3A = tpu.sem_alloc : memref<!tpu.dma_semaphore, #tpu.memory_space<semaphore_mem>>
      %dma_start3A_353 = arith.constant 0 : i32
      %dma_start3A_354 = tpu.memref_slice %arg4[%add3A_181, %dma_start3A_353] : memref<180224x128xf32, #tpu.memory_space<hbm>> -> memref<256x128xf32, #tpu.memory_space<hbm>>
      %dma_start3A_355 = arith.constant 0 : i32
      %dma_start3A_356 = tpu.memref_slice %arg4[%add3A_181, %dma_start3A_355] : memref<180224x128xf32, #tpu.memory_space<hbm>> -> memref<256x128xf32, #tpu.memory_space<hbm>>
      tpu.enqueue_dma source(%arg6 : memref<256x128xf32, #tpu.memory_space<vmem>>) target(%dma_start3A_356 : memref<256x128xf32, #tpu.memory_space<hbm>>) target_semaphore(%run_scoped3A : memref<!tpu.dma_semaphore, #tpu.memory_space<semaphore_mem>>)
      %dma_wait3A_357 = arith.constant 0 : i32
      %dma_wait3A_358 = tpu.memref_slice %arg4[%add3A_181, %dma_wait3A_357] : memref<180224x128xf32, #tpu.memory_space<hbm>> -> memref<256x128xf32, #tpu.memory_space<hbm>>
      %dma_wait3A_359 = arith.constant 0 : i32
      %dma_wait3A_360 = tpu.memref_slice %arg4[%add3A_181, %dma_wait3A_359] : memref<180224x128xf32, #tpu.memory_space<hbm>> -> memref<256x128xf32, #tpu.memory_space<hbm>>
      tpu.wait_dma2 semaphore(%run_scoped3A : memref<!tpu.dma_semaphore, #tpu.memory_space<semaphore_mem>>) src(%arg6 : memref<256x128xf32, #tpu.memory_space<vmem>>) dst(%dma_wait3A_360 : memref<256x128xf32, #tpu.memory_space<hbm>>)
      tpu.yield
    }) : () -> ()
    %dma_start3A_182 = arith.constant 3072 : i32
    %dma_start3A_183 = tpu.memref_slice %arg5[%dma_start3A_182] : memref<5632xi32, #tpu.memory_space<vmem>> -> memref<256xi32, #tpu.memory_space<vmem>>
    %dma_start3A_184 = arith.constant 0 : i32
    %dma_start3A_185 = arith.constant 0 : i32
    %dma_start3A_186 = tpu.memref_slice %arg2[%dma_start3A_184, %dma_start3A_185] : memref<251904x128xf32, #tpu.memory_space<hbm>> -> memref<251904x128xf32, #tpu.memory_space<hbm>>
    tpu.enqueue_indirect_dma source(%dma_start3A_186 : memref<251904x128xf32, #tpu.memory_space<hbm>>) target(%arg6 : memref<256x128xf32, #tpu.memory_space<vmem>>) offsets(%dma_start3A_183 : memref<256xi32, #tpu.memory_space<vmem>>) semaphore(%arg8 : memref<!tpu.dma_semaphore, #tpu.memory_space<semaphore_mem>>)
    %dma_wait3A_187 = arith.constant 2816 : i32
    %dma_wait3A_188 = tpu.memref_slice %arg5[%dma_wait3A_187] : memref<5632xi32, #tpu.memory_space<vmem>> -> memref<256xi32, #tpu.memory_space<vmem>>
    %dma_wait3A_189 = arith.constant 0 : i32
    %dma_wait3A_190 = arith.constant 0 : i32
    %dma_wait3A_191 = tpu.memref_slice %arg2[%dma_wait3A_189, %dma_wait3A_190] : memref<251904x128xf32, #tpu.memory_space<hbm>> -> memref<251904x128xf32, #tpu.memory_space<hbm>>
    tpu.wait_indirect_dma semaphore(%arg9 : memref<!tpu.dma_semaphore, #tpu.memory_space<semaphore_mem>>) src(%dma_wait3A_191 : memref<251904x128xf32, #tpu.memory_space<hbm>>) dst(%arg7 : memref<256x128xf32, #tpu.memory_space<vmem>>)
    %mul3A_192 = arith.constant 512 : i32
    %mul3A_193 = arith.muli %add3A, %mul3A_192 : i32
    %add3A_194 = arith.constant 81920 : i32
    %add3A_195 = arith.addi %add3A_194, %mul3A_193 : i32
    %add3A_196 = arith.constant 256 : i32
    %add3A_197 = arith.addi %add3A_195, %add3A_196 : i32
    "tpu.region"() ({
      %run_scoped3A = tpu.sem_alloc : memref<!tpu.dma_semaphore, #tpu.memory_space<semaphore_mem>>
      %dma_start3A_353 = arith.constant 0 : i32
      %dma_start3A_354 = tpu.memref_slice %arg4[%add3A_197, %dma_start3A_353] : memref<180224x128xf32, #tpu.memory_space<hbm>> -> memref<256x128xf32, #tpu.memory_space<hbm>>
      %dma_start3A_355 = arith.constant 0 : i32
      %dma_start3A_356 = tpu.memref_slice %arg4[%add3A_197, %dma_start3A_355] : memref<180224x128xf32, #tpu.memory_space<hbm>> -> memref<256x128xf32, #tpu.memory_space<hbm>>
      tpu.enqueue_dma source(%arg7 : memref<256x128xf32, #tpu.memory_space<vmem>>) target(%dma_start3A_356 : memref<256x128xf32, #tpu.memory_space<hbm>>) target_semaphore(%run_scoped3A : memref<!tpu.dma_semaphore, #tpu.memory_space<semaphore_mem>>)
      %dma_wait3A_357 = arith.constant 0 : i32
      %dma_wait3A_358 = tpu.memref_slice %arg4[%add3A_197, %dma_wait3A_357] : memref<180224x128xf32, #tpu.memory_space<hbm>> -> memref<256x128xf32, #tpu.memory_space<hbm>>
      %dma_wait3A_359 = arith.constant 0 : i32
      %dma_wait3A_360 = tpu.memref_slice %arg4[%add3A_197, %dma_wait3A_359] : memref<180224x128xf32, #tpu.memory_space<hbm>> -> memref<256x128xf32, #tpu.memory_space<hbm>>
      tpu.wait_dma2 semaphore(%run_scoped3A : memref<!tpu.dma_semaphore, #tpu.memory_space<semaphore_mem>>) src(%arg7 : memref<256x128xf32, #tpu.memory_space<vmem>>) dst(%dma_wait3A_360 : memref<256x128xf32, #tpu.memory_space<hbm>>)
      tpu.yield
    }) : () -> ()
    %dma_start3A_198 = arith.constant 3328 : i32
    %dma_start3A_199 = tpu.memref_slice %arg5[%dma_start3A_198] : memref<5632xi32, #tpu.memory_space<vmem>> -> memref<256xi32, #tpu.memory_space<vmem>>
    %dma_start3A_200 = arith.constant 0 : i32
    %dma_start3A_201 = arith.constant 0 : i32
    %dma_start3A_202 = tpu.memref_slice %arg2[%dma_start3A_200, %dma_start3A_201] : memref<251904x128xf32, #tpu.memory_space<hbm>> -> memref<251904x128xf32, #tpu.memory_space<hbm>>
    tpu.enqueue_indirect_dma source(%dma_start3A_202 : memref<251904x128xf32, #tpu.memory_space<hbm>>) target(%arg7 : memref<256x128xf32, #tpu.memory_space<vmem>>) offsets(%dma_start3A_199 : memref<256xi32, #tpu.memory_space<vmem>>) semaphore(%arg9 : memref<!tpu.dma_semaphore, #tpu.memory_space<semaphore_mem>>)
    %dma_wait3A_203 = arith.constant 3072 : i32
    %dma_wait3A_204 = tpu.memref_slice %arg5[%dma_wait3A_203] : memref<5632xi32, #tpu.memory_space<vmem>> -> memref<256xi32, #tpu.memory_space<vmem>>
    %dma_wait3A_205 = arith.constant 0 : i32
    %dma_wait3A_206 = arith.constant 0 : i32
    %dma_wait3A_207 = tpu.memref_slice %arg2[%dma_wait3A_205, %dma_wait3A_206] : memref<251904x128xf32, #tpu.memory_space<hbm>> -> memref<251904x128xf32, #tpu.memory_space<hbm>>
    tpu.wait_indirect_dma semaphore(%arg8 : memref<!tpu.dma_semaphore, #tpu.memory_space<semaphore_mem>>) src(%dma_wait3A_207 : memref<251904x128xf32, #tpu.memory_space<hbm>>) dst(%arg6 : memref<256x128xf32, #tpu.memory_space<vmem>>)
    %mul3A_208 = arith.constant 512 : i32
    %mul3A_209 = arith.muli %add3A, %mul3A_208 : i32
    %add3A_210 = arith.constant 98304 : i32
    %add3A_211 = arith.addi %add3A_210, %mul3A_209 : i32
    %add3A_212 = arith.constant 0 : i32
    %add3A_213 = arith.addi %add3A_211, %add3A_212 : i32
    "tpu.region"() ({
      %run_scoped3A = tpu.sem_alloc : memref<!tpu.dma_semaphore, #tpu.memory_space<semaphore_mem>>
      %dma_start3A_353 = arith.constant 0 : i32
      %dma_start3A_354 = tpu.memref_slice %arg4[%add3A_213, %dma_start3A_353] : memref<180224x128xf32, #tpu.memory_space<hbm>> -> memref<256x128xf32, #tpu.memory_space<hbm>>
      %dma_start3A_355 = arith.constant 0 : i32
      %dma_start3A_356 = tpu.memref_slice %arg4[%add3A_213, %dma_start3A_355] : memref<180224x128xf32, #tpu.memory_space<hbm>> -> memref<256x128xf32, #tpu.memory_space<hbm>>
      tpu.enqueue_dma source(%arg6 : memref<256x128xf32, #tpu.memory_space<vmem>>) target(%dma_start3A_356 : memref<256x128xf32, #tpu.memory_space<hbm>>) target_semaphore(%run_scoped3A : memref<!tpu.dma_semaphore, #tpu.memory_space<semaphore_mem>>)
      %dma_wait3A_357 = arith.constant 0 : i32
      %dma_wait3A_358 = tpu.memref_slice %arg4[%add3A_213, %dma_wait3A_357] : memref<180224x128xf32, #tpu.memory_space<hbm>> -> memref<256x128xf32, #tpu.memory_space<hbm>>
      %dma_wait3A_359 = arith.constant 0 : i32
      %dma_wait3A_360 = tpu.memref_slice %arg4[%add3A_213, %dma_wait3A_359] : memref<180224x128xf32, #tpu.memory_space<hbm>> -> memref<256x128xf32, #tpu.memory_space<hbm>>
      tpu.wait_dma2 semaphore(%run_scoped3A : memref<!tpu.dma_semaphore, #tpu.memory_space<semaphore_mem>>) src(%arg6 : memref<256x128xf32, #tpu.memory_space<vmem>>) dst(%dma_wait3A_360 : memref<256x128xf32, #tpu.memory_space<hbm>>)
      tpu.yield
    }) : () -> ()
    %dma_start3A_214 = arith.constant 3584 : i32
    %dma_start3A_215 = tpu.memref_slice %arg5[%dma_start3A_214] : memref<5632xi32, #tpu.memory_space<vmem>> -> memref<256xi32, #tpu.memory_space<vmem>>
    %dma_start3A_216 = arith.constant 0 : i32
    %dma_start3A_217 = arith.constant 0 : i32
    %dma_start3A_218 = tpu.memref_slice %arg2[%dma_start3A_216, %dma_start3A_217] : memref<251904x128xf32, #tpu.memory_space<hbm>> -> memref<251904x128xf32, #tpu.memory_space<hbm>>
    tpu.enqueue_indirect_dma source(%dma_start3A_218 : memref<251904x128xf32, #tpu.memory_space<hbm>>) target(%arg6 : memref<256x128xf32, #tpu.memory_space<vmem>>) offsets(%dma_start3A_215 : memref<256xi32, #tpu.memory_space<vmem>>) semaphore(%arg8 : memref<!tpu.dma_semaphore, #tpu.memory_space<semaphore_mem>>)
    %dma_wait3A_219 = arith.constant 3328 : i32
    %dma_wait3A_220 = tpu.memref_slice %arg5[%dma_wait3A_219] : memref<5632xi32, #tpu.memory_space<vmem>> -> memref<256xi32, #tpu.memory_space<vmem>>
    %dma_wait3A_221 = arith.constant 0 : i32
    %dma_wait3A_222 = arith.constant 0 : i32
    %dma_wait3A_223 = tpu.memref_slice %arg2[%dma_wait3A_221, %dma_wait3A_222] : memref<251904x128xf32, #tpu.memory_space<hbm>> -> memref<251904x128xf32, #tpu.memory_space<hbm>>
    tpu.wait_indirect_dma semaphore(%arg9 : memref<!tpu.dma_semaphore, #tpu.memory_space<semaphore_mem>>) src(%dma_wait3A_223 : memref<251904x128xf32, #tpu.memory_space<hbm>>) dst(%arg7 : memref<256x128xf32, #tpu.memory_space<vmem>>)
    %mul3A_224 = arith.constant 512 : i32
    %mul3A_225 = arith.muli %add3A, %mul3A_224 : i32
    %add3A_226 = arith.constant 98304 : i32
    %add3A_227 = arith.addi %add3A_226, %mul3A_225 : i32
    %add3A_228 = arith.constant 256 : i32
    %add3A_229 = arith.addi %add3A_227, %add3A_228 : i32
    "tpu.region"() ({
      %run_scoped3A = tpu.sem_alloc : memref<!tpu.dma_semaphore, #tpu.memory_space<semaphore_mem>>
      %dma_start3A_353 = arith.constant 0 : i32
      %dma_start3A_354 = tpu.memref_slice %arg4[%add3A_229, %dma_start3A_353] : memref<180224x128xf32, #tpu.memory_space<hbm>> -> memref<256x128xf32, #tpu.memory_space<hbm>>
      %dma_start3A_355 = arith.constant 0 : i32
      %dma_start3A_356 = tpu.memref_slice %arg4[%add3A_229, %dma_start3A_355] : memref<180224x128xf32, #tpu.memory_space<hbm>> -> memref<256x128xf32, #tpu.memory_space<hbm>>
      tpu.enqueue_dma source(%arg7 : memref<256x128xf32, #tpu.memory_space<vmem>>) target(%dma_start3A_356 : memref<256x128xf32, #tpu.memory_space<hbm>>) target_semaphore(%run_scoped3A : memref<!tpu.dma_semaphore, #tpu.memory_space<semaphore_mem>>)
      %dma_wait3A_357 = arith.constant 0 : i32
      %dma_wait3A_358 = tpu.memref_slice %arg4[%add3A_229, %dma_wait3A_357] : memref<180224x128xf32, #tpu.memory_space<hbm>> -> memref<256x128xf32, #tpu.memory_space<hbm>>
      %dma_wait3A_359 = arith.constant 0 : i32
      %dma_wait3A_360 = tpu.memref_slice %arg4[%add3A_229, %dma_wait3A_359] : memref<180224x128xf32, #tpu.memory_space<hbm>> -> memref<256x128xf32, #tpu.memory_space<hbm>>
      tpu.wait_dma2 semaphore(%run_scoped3A : memref<!tpu.dma_semaphore, #tpu.memory_space<semaphore_mem>>) src(%arg7 : memref<256x128xf32, #tpu.memory_space<vmem>>) dst(%dma_wait3A_360 : memref<256x128xf32, #tpu.memory_space<hbm>>)
      tpu.yield
    }) : () -> ()
    %dma_start3A_230 = arith.constant 3840 : i32
    %dma_start3A_231 = tpu.memref_slice %arg5[%dma_start3A_230] : memref<5632xi32, #tpu.memory_space<vmem>> -> memref<256xi32, #tpu.memory_space<vmem>>
    %dma_start3A_232 = arith.constant 0 : i32
    %dma_start3A_233 = arith.constant 0 : i32
    %dma_start3A_234 = tpu.memref_slice %arg2[%dma_start3A_232, %dma_start3A_233] : memref<251904x128xf32, #tpu.memory_space<hbm>> -> memref<251904x128xf32, #tpu.memory_space<hbm>>
    tpu.enqueue_indirect_dma source(%dma_start3A_234 : memref<251904x128xf32, #tpu.memory_space<hbm>>) target(%arg7 : memref<256x128xf32, #tpu.memory_space<vmem>>) offsets(%dma_start3A_231 : memref<256xi32, #tpu.memory_space<vmem>>) semaphore(%arg9 : memref<!tpu.dma_semaphore, #tpu.memory_space<semaphore_mem>>)
    %dma_wait3A_235 = arith.constant 3584 : i32
    %dma_wait3A_236 = tpu.memref_slice %arg5[%dma_wait3A_235] : memref<5632xi32, #tpu.memory_space<vmem>> -> memref<256xi32, #tpu.memory_space<vmem>>
    %dma_wait3A_237 = arith.constant 0 : i32
    %dma_wait3A_238 = arith.constant 0 : i32
    %dma_wait3A_239 = tpu.memref_slice %arg2[%dma_wait3A_237, %dma_wait3A_238] : memref<251904x128xf32, #tpu.memory_space<hbm>> -> memref<251904x128xf32, #tpu.memory_space<hbm>>
    tpu.wait_indirect_dma semaphore(%arg8 : memref<!tpu.dma_semaphore, #tpu.memory_space<semaphore_mem>>) src(%dma_wait3A_239 : memref<251904x128xf32, #tpu.memory_space<hbm>>) dst(%arg6 : memref<256x128xf32, #tpu.memory_space<vmem>>)
    %mul3A_240 = arith.constant 512 : i32
    %mul3A_241 = arith.muli %add3A, %mul3A_240 : i32
    %add3A_242 = arith.constant 114688 : i32
    %add3A_243 = arith.addi %add3A_242, %mul3A_241 : i32
    %add3A_244 = arith.constant 0 : i32
    %add3A_245 = arith.addi %add3A_243, %add3A_244 : i32
    "tpu.region"() ({
      %run_scoped3A = tpu.sem_alloc : memref<!tpu.dma_semaphore, #tpu.memory_space<semaphore_mem>>
      %dma_start3A_353 = arith.constant 0 : i32
      %dma_start3A_354 = tpu.memref_slice %arg4[%add3A_245, %dma_start3A_353] : memref<180224x128xf32, #tpu.memory_space<hbm>> -> memref<256x128xf32, #tpu.memory_space<hbm>>
      %dma_start3A_355 = arith.constant 0 : i32
      %dma_start3A_356 = tpu.memref_slice %arg4[%add3A_245, %dma_start3A_355] : memref<180224x128xf32, #tpu.memory_space<hbm>> -> memref<256x128xf32, #tpu.memory_space<hbm>>
      tpu.enqueue_dma source(%arg6 : memref<256x128xf32, #tpu.memory_space<vmem>>) target(%dma_start3A_356 : memref<256x128xf32, #tpu.memory_space<hbm>>) target_semaphore(%run_scoped3A : memref<!tpu.dma_semaphore, #tpu.memory_space<semaphore_mem>>)
      %dma_wait3A_357 = arith.constant 0 : i32
      %dma_wait3A_358 = tpu.memref_slice %arg4[%add3A_245, %dma_wait3A_357] : memref<180224x128xf32, #tpu.memory_space<hbm>> -> memref<256x128xf32, #tpu.memory_space<hbm>>
      %dma_wait3A_359 = arith.constant 0 : i32
      %dma_wait3A_360 = tpu.memref_slice %arg4[%add3A_245, %dma_wait3A_359] : memref<180224x128xf32, #tpu.memory_space<hbm>> -> memref<256x128xf32, #tpu.memory_space<hbm>>
      tpu.wait_dma2 semaphore(%run_scoped3A : memref<!tpu.dma_semaphore, #tpu.memory_space<semaphore_mem>>) src(%arg6 : memref<256x128xf32, #tpu.memory_space<vmem>>) dst(%dma_wait3A_360 : memref<256x128xf32, #tpu.memory_space<hbm>>)
      tpu.yield
    }) : () -> ()
    %dma_start3A_246 = arith.constant 4096 : i32
    %dma_start3A_247 = tpu.memref_slice %arg5[%dma_start3A_246] : memref<5632xi32, #tpu.memory_space<vmem>> -> memref<256xi32, #tpu.memory_space<vmem>>
    %dma_start3A_248 = arith.constant 0 : i32
    %dma_start3A_249 = arith.constant 0 : i32
    %dma_start3A_250 = tpu.memref_slice %arg2[%dma_start3A_248, %dma_start3A_249] : memref<251904x128xf32, #tpu.memory_space<hbm>> -> memref<251904x128xf32, #tpu.memory_space<hbm>>
    tpu.enqueue_indirect_dma source(%dma_start3A_250 : memref<251904x128xf32, #tpu.memory_space<hbm>>) target(%arg6 : memref<256x128xf32, #tpu.memory_space<vmem>>) offsets(%dma_start3A_247 : memref<256xi32, #tpu.memory_space<vmem>>) semaphore(%arg8 : memref<!tpu.dma_semaphore, #tpu.memory_space<semaphore_mem>>)
    %dma_wait3A_251 = arith.constant 3840 : i32
    %dma_wait3A_252 = tpu.memref_slice %arg5[%dma_wait3A_251] : memref<5632xi32, #tpu.memory_space<vmem>> -> memref<256xi32, #tpu.memory_space<vmem>>
    %dma_wait3A_253 = arith.constant 0 : i32
    %dma_wait3A_254 = arith.constant 0 : i32
    %dma_wait3A_255 = tpu.memref_slice %arg2[%dma_wait3A_253, %dma_wait3A_254] : memref<251904x128xf32, #tpu.memory_space<hbm>> -> memref<251904x128xf32, #tpu.memory_space<hbm>>
    tpu.wait_indirect_dma semaphore(%arg9 : memref<!tpu.dma_semaphore, #tpu.memory_space<semaphore_mem>>) src(%dma_wait3A_255 : memref<251904x128xf32, #tpu.memory_space<hbm>>) dst(%arg7 : memref<256x128xf32, #tpu.memory_space<vmem>>)
    %mul3A_256 = arith.constant 512 : i32
    %mul3A_257 = arith.muli %add3A, %mul3A_256 : i32
    %add3A_258 = arith.constant 114688 : i32
    %add3A_259 = arith.addi %add3A_258, %mul3A_257 : i32
    %add3A_260 = arith.constant 256 : i32
    %add3A_261 = arith.addi %add3A_259, %add3A_260 : i32
    "tpu.region"() ({
      %run_scoped3A = tpu.sem_alloc : memref<!tpu.dma_semaphore, #tpu.memory_space<semaphore_mem>>
      %dma_start3A_353 = arith.constant 0 : i32
      %dma_start3A_354 = tpu.memref_slice %arg4[%add3A_261, %dma_start3A_353] : memref<180224x128xf32, #tpu.memory_space<hbm>> -> memref<256x128xf32, #tpu.memory_space<hbm>>
      %dma_start3A_355 = arith.constant 0 : i32
      %dma_start3A_356 = tpu.memref_slice %arg4[%add3A_261, %dma_start3A_355] : memref<180224x128xf32, #tpu.memory_space<hbm>> -> memref<256x128xf32, #tpu.memory_space<hbm>>
      tpu.enqueue_dma source(%arg7 : memref<256x128xf32, #tpu.memory_space<vmem>>) target(%dma_start3A_356 : memref<256x128xf32, #tpu.memory_space<hbm>>) target_semaphore(%run_scoped3A : memref<!tpu.dma_semaphore, #tpu.memory_space<semaphore_mem>>)
      %dma_wait3A_357 = arith.constant 0 : i32
      %dma_wait3A_358 = tpu.memref_slice %arg4[%add3A_261, %dma_wait3A_357] : memref<180224x128xf32, #tpu.memory_space<hbm>> -> memref<256x128xf32, #tpu.memory_space<hbm>>
      %dma_wait3A_359 = arith.constant 0 : i32
      %dma_wait3A_360 = tpu.memref_slice %arg4[%add3A_261, %dma_wait3A_359] : memref<180224x128xf32, #tpu.memory_space<hbm>> -> memref<256x128xf32, #tpu.memory_space<hbm>>
      tpu.wait_dma2 semaphore(%run_scoped3A : memref<!tpu.dma_semaphore, #tpu.memory_space<semaphore_mem>>) src(%arg7 : memref<256x128xf32, #tpu.memory_space<vmem>>) dst(%dma_wait3A_360 : memref<256x128xf32, #tpu.memory_space<hbm>>)
      tpu.yield
    }) : () -> ()
    %dma_start3A_262 = arith.constant 4352 : i32
    %dma_start3A_263 = tpu.memref_slice %arg5[%dma_start3A_262] : memref<5632xi32, #tpu.memory_space<vmem>> -> memref<256xi32, #tpu.memory_space<vmem>>
    %dma_start3A_264 = arith.constant 0 : i32
    %dma_start3A_265 = arith.constant 0 : i32
    %dma_start3A_266 = tpu.memref_slice %arg2[%dma_start3A_264, %dma_start3A_265] : memref<251904x128xf32, #tpu.memory_space<hbm>> -> memref<251904x128xf32, #tpu.memory_space<hbm>>
    tpu.enqueue_indirect_dma source(%dma_start3A_266 : memref<251904x128xf32, #tpu.memory_space<hbm>>) target(%arg7 : memref<256x128xf32, #tpu.memory_space<vmem>>) offsets(%dma_start3A_263 : memref<256xi32, #tpu.memory_space<vmem>>) semaphore(%arg9 : memref<!tpu.dma_semaphore, #tpu.memory_space<semaphore_mem>>)
    %dma_wait3A_267 = arith.constant 4096 : i32
    %dma_wait3A_268 = tpu.memref_slice %arg5[%dma_wait3A_267] : memref<5632xi32, #tpu.memory_space<vmem>> -> memref<256xi32, #tpu.memory_space<vmem>>
    %dma_wait3A_269 = arith.constant 0 : i32
    %dma_wait3A_270 = arith.constant 0 : i32
    %dma_wait3A_271 = tpu.memref_slice %arg2[%dma_wait3A_269, %dma_wait3A_270] : memref<251904x128xf32, #tpu.memory_space<hbm>> -> memref<251904x128xf32, #tpu.memory_space<hbm>>
    tpu.wait_indirect_dma semaphore(%arg8 : memref<!tpu.dma_semaphore, #tpu.memory_space<semaphore_mem>>) src(%dma_wait3A_271 : memref<251904x128xf32, #tpu.memory_space<hbm>>) dst(%arg6 : memref<256x128xf32, #tpu.memory_space<vmem>>)
    %mul3A_272 = arith.constant 512 : i32
    %mul3A_273 = arith.muli %add3A, %mul3A_272 : i32
    %add3A_274 = arith.constant 131072 : i32
    %add3A_275 = arith.addi %add3A_274, %mul3A_273 : i32
    %add3A_276 = arith.constant 0 : i32
    %add3A_277 = arith.addi %add3A_275, %add3A_276 : i32
    "tpu.region"() ({
      %run_scoped3A = tpu.sem_alloc : memref<!tpu.dma_semaphore, #tpu.memory_space<semaphore_mem>>
      %dma_start3A_353 = arith.constant 0 : i32
      %dma_start3A_354 = tpu.memref_slice %arg4[%add3A_277, %dma_start3A_353] : memref<180224x128xf32, #tpu.memory_space<hbm>> -> memref<256x128xf32, #tpu.memory_space<hbm>>
      %dma_start3A_355 = arith.constant 0 : i32
      %dma_start3A_356 = tpu.memref_slice %arg4[%add3A_277, %dma_start3A_355] : memref<180224x128xf32, #tpu.memory_space<hbm>> -> memref<256x128xf32, #tpu.memory_space<hbm>>
      tpu.enqueue_dma source(%arg6 : memref<256x128xf32, #tpu.memory_space<vmem>>) target(%dma_start3A_356 : memref<256x128xf32, #tpu.memory_space<hbm>>) target_semaphore(%run_scoped3A : memref<!tpu.dma_semaphore, #tpu.memory_space<semaphore_mem>>)
      %dma_wait3A_357 = arith.constant 0 : i32
      %dma_wait3A_358 = tpu.memref_slice %arg4[%add3A_277, %dma_wait3A_357] : memref<180224x128xf32, #tpu.memory_space<hbm>> -> memref<256x128xf32, #tpu.memory_space<hbm>>
      %dma_wait3A_359 = arith.constant 0 : i32
      %dma_wait3A_360 = tpu.memref_slice %arg4[%add3A_277, %dma_wait3A_359] : memref<180224x128xf32, #tpu.memory_space<hbm>> -> memref<256x128xf32, #tpu.memory_space<hbm>>
      tpu.wait_dma2 semaphore(%run_scoped3A : memref<!tpu.dma_semaphore, #tpu.memory_space<semaphore_mem>>) src(%arg6 : memref<256x128xf32, #tpu.memory_space<vmem>>) dst(%dma_wait3A_360 : memref<256x128xf32, #tpu.memory_space<hbm>>)
      tpu.yield
    }) : () -> ()
    %dma_start3A_278 = arith.constant 4608 : i32
    %dma_start3A_279 = tpu.memref_slice %arg5[%dma_start3A_278] : memref<5632xi32, #tpu.memory_space<vmem>> -> memref<256xi32, #tpu.memory_space<vmem>>
    %dma_start3A_280 = arith.constant 0 : i32
    %dma_start3A_281 = arith.constant 0 : i32
    %dma_start3A_282 = tpu.memref_slice %arg2[%dma_start3A_280, %dma_start3A_281] : memref<251904x128xf32, #tpu.memory_space<hbm>> -> memref<251904x128xf32, #tpu.memory_space<hbm>>
    tpu.enqueue_indirect_dma source(%dma_start3A_282 : memref<251904x128xf32, #tpu.memory_space<hbm>>) target(%arg6 : memref<256x128xf32, #tpu.memory_space<vmem>>) offsets(%dma_start3A_279 : memref<256xi32, #tpu.memory_space<vmem>>) semaphore(%arg8 : memref<!tpu.dma_semaphore, #tpu.memory_space<semaphore_mem>>)
    %dma_wait3A_283 = arith.constant 4352 : i32
    %dma_wait3A_284 = tpu.memref_slice %arg5[%dma_wait3A_283] : memref<5632xi32, #tpu.memory_space<vmem>> -> memref<256xi32, #tpu.memory_space<vmem>>
    %dma_wait3A_285 = arith.constant 0 : i32
    %dma_wait3A_286 = arith.constant 0 : i32
    %dma_wait3A_287 = tpu.memref_slice %arg2[%dma_wait3A_285, %dma_wait3A_286] : memref<251904x128xf32, #tpu.memory_space<hbm>> -> memref<251904x128xf32, #tpu.memory_space<hbm>>
    tpu.wait_indirect_dma semaphore(%arg9 : memref<!tpu.dma_semaphore, #tpu.memory_space<semaphore_mem>>) src(%dma_wait3A_287 : memref<251904x128xf32, #tpu.memory_space<hbm>>) dst(%arg7 : memref<256x128xf32, #tpu.memory_space<vmem>>)
    %mul3A_288 = arith.constant 512 : i32
    %mul3A_289 = arith.muli %add3A, %mul3A_288 : i32
    %add3A_290 = arith.constant 131072 : i32
    %add3A_291 = arith.addi %add3A_290, %mul3A_289 : i32
    %add3A_292 = arith.constant 256 : i32
    %add3A_293 = arith.addi %add3A_291, %add3A_292 : i32
    "tpu.region"() ({
      %run_scoped3A = tpu.sem_alloc : memref<!tpu.dma_semaphore, #tpu.memory_space<semaphore_mem>>
      %dma_start3A_353 = arith.constant 0 : i32
      %dma_start3A_354 = tpu.memref_slice %arg4[%add3A_293, %dma_start3A_353] : memref<180224x128xf32, #tpu.memory_space<hbm>> -> memref<256x128xf32, #tpu.memory_space<hbm>>
      %dma_start3A_355 = arith.constant 0 : i32
      %dma_start3A_356 = tpu.memref_slice %arg4[%add3A_293, %dma_start3A_355] : memref<180224x128xf32, #tpu.memory_space<hbm>> -> memref<256x128xf32, #tpu.memory_space<hbm>>
      tpu.enqueue_dma source(%arg7 : memref<256x128xf32, #tpu.memory_space<vmem>>) target(%dma_start3A_356 : memref<256x128xf32, #tpu.memory_space<hbm>>) target_semaphore(%run_scoped3A : memref<!tpu.dma_semaphore, #tpu.memory_space<semaphore_mem>>)
      %dma_wait3A_357 = arith.constant 0 : i32
      %dma_wait3A_358 = tpu.memref_slice %arg4[%add3A_293, %dma_wait3A_357] : memref<180224x128xf32, #tpu.memory_space<hbm>> -> memref<256x128xf32, #tpu.memory_space<hbm>>
      %dma_wait3A_359 = arith.constant 0 : i32
      %dma_wait3A_360 = tpu.memref_slice %arg4[%add3A_293, %dma_wait3A_359] : memref<180224x128xf32, #tpu.memory_space<hbm>> -> memref<256x128xf32, #tpu.memory_space<hbm>>
      tpu.wait_dma2 semaphore(%run_scoped3A : memref<!tpu.dma_semaphore, #tpu.memory_space<semaphore_mem>>) src(%arg7 : memref<256x128xf32, #tpu.memory_space<vmem>>) dst(%dma_wait3A_360 : memref<256x128xf32, #tpu.memory_space<hbm>>)
      tpu.yield
    }) : () -> ()
    %dma_start3A_294 = arith.constant 4864 : i32
    %dma_start3A_295 = tpu.memref_slice %arg5[%dma_start3A_294] : memref<5632xi32, #tpu.memory_space<vmem>> -> memref<256xi32, #tpu.memory_space<vmem>>
    %dma_start3A_296 = arith.constant 0 : i32
    %dma_start3A_297 = arith.constant 0 : i32
    %dma_start3A_298 = tpu.memref_slice %arg2[%dma_start3A_296, %dma_start3A_297] : memref<251904x128xf32, #tpu.memory_space<hbm>> -> memref<251904x128xf32, #tpu.memory_space<hbm>>
    tpu.enqueue_indirect_dma source(%dma_start3A_298 : memref<251904x128xf32, #tpu.memory_space<hbm>>) target(%arg7 : memref<256x128xf32, #tpu.memory_space<vmem>>) offsets(%dma_start3A_295 : memref<256xi32, #tpu.memory_space<vmem>>) semaphore(%arg9 : memref<!tpu.dma_semaphore, #tpu.memory_space<semaphore_mem>>)
    %dma_wait3A_299 = arith.constant 4608 : i32
    %dma_wait3A_300 = tpu.memref_slice %arg5[%dma_wait3A_299] : memref<5632xi32, #tpu.memory_space<vmem>> -> memref<256xi32, #tpu.memory_space<vmem>>
    %dma_wait3A_301 = arith.constant 0 : i32
    %dma_wait3A_302 = arith.constant 0 : i32
    %dma_wait3A_303 = tpu.memref_slice %arg2[%dma_wait3A_301, %dma_wait3A_302] : memref<251904x128xf32, #tpu.memory_space<hbm>> -> memref<251904x128xf32, #tpu.memory_space<hbm>>
    tpu.wait_indirect_dma semaphore(%arg8 : memref<!tpu.dma_semaphore, #tpu.memory_space<semaphore_mem>>) src(%dma_wait3A_303 : memref<251904x128xf32, #tpu.memory_space<hbm>>) dst(%arg6 : memref<256x128xf32, #tpu.memory_space<vmem>>)
    %mul3A_304 = arith.constant 512 : i32
    %mul3A_305 = arith.muli %add3A, %mul3A_304 : i32
    %add3A_306 = arith.constant 147456 : i32
    %add3A_307 = arith.addi %add3A_306, %mul3A_305 : i32
    %add3A_308 = arith.constant 0 : i32
    %add3A_309 = arith.addi %add3A_307, %add3A_308 : i32
    "tpu.region"() ({
      %run_scoped3A = tpu.sem_alloc : memref<!tpu.dma_semaphore, #tpu.memory_space<semaphore_mem>>
      %dma_start3A_353 = arith.constant 0 : i32
      %dma_start3A_354 = tpu.memref_slice %arg4[%add3A_309, %dma_start3A_353] : memref<180224x128xf32, #tpu.memory_space<hbm>> -> memref<256x128xf32, #tpu.memory_space<hbm>>
      %dma_start3A_355 = arith.constant 0 : i32
      %dma_start3A_356 = tpu.memref_slice %arg4[%add3A_309, %dma_start3A_355] : memref<180224x128xf32, #tpu.memory_space<hbm>> -> memref<256x128xf32, #tpu.memory_space<hbm>>
      tpu.enqueue_dma source(%arg6 : memref<256x128xf32, #tpu.memory_space<vmem>>) target(%dma_start3A_356 : memref<256x128xf32, #tpu.memory_space<hbm>>) target_semaphore(%run_scoped3A : memref<!tpu.dma_semaphore, #tpu.memory_space<semaphore_mem>>)
      %dma_wait3A_357 = arith.constant 0 : i32
      %dma_wait3A_358 = tpu.memref_slice %arg4[%add3A_309, %dma_wait3A_357] : memref<180224x128xf32, #tpu.memory_space<hbm>> -> memref<256x128xf32, #tpu.memory_space<hbm>>
      %dma_wait3A_359 = arith.constant 0 : i32
      %dma_wait3A_360 = tpu.memref_slice %arg4[%add3A_309, %dma_wait3A_359] : memref<180224x128xf32, #tpu.memory_space<hbm>> -> memref<256x128xf32, #tpu.memory_space<hbm>>
      tpu.wait_dma2 semaphore(%run_scoped3A : memref<!tpu.dma_semaphore, #tpu.memory_space<semaphore_mem>>) src(%arg6 : memref<256x128xf32, #tpu.memory_space<vmem>>) dst(%dma_wait3A_360 : memref<256x128xf32, #tpu.memory_space<hbm>>)
      tpu.yield
    }) : () -> ()
    %dma_start3A_310 = arith.constant 5120 : i32
    %dma_start3A_311 = tpu.memref_slice %arg5[%dma_start3A_310] : memref<5632xi32, #tpu.memory_space<vmem>> -> memref<256xi32, #tpu.memory_space<vmem>>
    %dma_start3A_312 = arith.constant 0 : i32
    %dma_start3A_313 = arith.constant 0 : i32
    %dma_start3A_314 = tpu.memref_slice %arg2[%dma_start3A_312, %dma_start3A_313] : memref<251904x128xf32, #tpu.memory_space<hbm>> -> memref<251904x128xf32, #tpu.memory_space<hbm>>
    tpu.enqueue_indirect_dma source(%dma_start3A_314 : memref<251904x128xf32, #tpu.memory_space<hbm>>) target(%arg6 : memref<256x128xf32, #tpu.memory_space<vmem>>) offsets(%dma_start3A_311 : memref<256xi32, #tpu.memory_space<vmem>>) semaphore(%arg8 : memref<!tpu.dma_semaphore, #tpu.memory_space<semaphore_mem>>)
    %dma_wait3A_315 = arith.constant 4864 : i32
    %dma_wait3A_316 = tpu.memref_slice %arg5[%dma_wait3A_315] : memref<5632xi32, #tpu.memory_space<vmem>> -> memref<256xi32, #tpu.memory_space<vmem>>
    %dma_wait3A_317 = arith.constant 0 : i32
    %dma_wait3A_318 = arith.constant 0 : i32
    %dma_wait3A_319 = tpu.memref_slice %arg2[%dma_wait3A_317, %dma_wait3A_318] : memref<251904x128xf32, #tpu.memory_space<hbm>> -> memref<251904x128xf32, #tpu.memory_space<hbm>>
    tpu.wait_indirect_dma semaphore(%arg9 : memref<!tpu.dma_semaphore, #tpu.memory_space<semaphore_mem>>) src(%dma_wait3A_319 : memref<251904x128xf32, #tpu.memory_space<hbm>>) dst(%arg7 : memref<256x128xf32, #tpu.memory_space<vmem>>)
    %mul3A_320 = arith.constant 512 : i32
    %mul3A_321 = arith.muli %add3A, %mul3A_320 : i32
    %add3A_322 = arith.constant 147456 : i32
    %add3A_323 = arith.addi %add3A_322, %mul3A_321 : i32
    %add3A_324 = arith.constant 256 : i32
    %add3A_325 = arith.addi %add3A_323, %add3A_324 : i32
    "tpu.region"() ({
      %run_scoped3A = tpu.sem_alloc : memref<!tpu.dma_semaphore, #tpu.memory_space<semaphore_mem>>
      %dma_start3A_353 = arith.constant 0 : i32
      %dma_start3A_354 = tpu.memref_slice %arg4[%add3A_325, %dma_start3A_353] : memref<180224x128xf32, #tpu.memory_space<hbm>> -> memref<256x128xf32, #tpu.memory_space<hbm>>
      %dma_start3A_355 = arith.constant 0 : i32
      %dma_start3A_356 = tpu.memref_slice %arg4[%add3A_325, %dma_start3A_355] : memref<180224x128xf32, #tpu.memory_space<hbm>> -> memref<256x128xf32, #tpu.memory_space<hbm>>
      tpu.enqueue_dma source(%arg7 : memref<256x128xf32, #tpu.memory_space<vmem>>) target(%dma_start3A_356 : memref<256x128xf32, #tpu.memory_space<hbm>>) target_semaphore(%run_scoped3A : memref<!tpu.dma_semaphore, #tpu.memory_space<semaphore_mem>>)
      %dma_wait3A_357 = arith.constant 0 : i32
      %dma_wait3A_358 = tpu.memref_slice %arg4[%add3A_325, %dma_wait3A_357] : memref<180224x128xf32, #tpu.memory_space<hbm>> -> memref<256x128xf32, #tpu.memory_space<hbm>>
      %dma_wait3A_359 = arith.constant 0 : i32
      %dma_wait3A_360 = tpu.memref_slice %arg4[%add3A_325, %dma_wait3A_359] : memref<180224x128xf32, #tpu.memory_space<hbm>> -> memref<256x128xf32, #tpu.memory_space<hbm>>
      tpu.wait_dma2 semaphore(%run_scoped3A : memref<!tpu.dma_semaphore, #tpu.memory_space<semaphore_mem>>) src(%arg7 : memref<256x128xf32, #tpu.memory_space<vmem>>) dst(%dma_wait3A_360 : memref<256x128xf32, #tpu.memory_space<hbm>>)
      tpu.yield
    }) : () -> ()
    %dma_start3A_326 = arith.constant 5376 : i32
    %dma_start3A_327 = tpu.memref_slice %arg5[%dma_start3A_326] : memref<5632xi32, #tpu.memory_space<vmem>> -> memref<256xi32, #tpu.memory_space<vmem>>
    %dma_start3A_328 = arith.constant 0 : i32
    %dma_start3A_329 = arith.constant 0 : i32
    %dma_start3A_330 = tpu.memref_slice %arg2[%dma_start3A_328, %dma_start3A_329] : memref<251904x128xf32, #tpu.memory_space<hbm>> -> memref<251904x128xf32, #tpu.memory_space<hbm>>
    tpu.enqueue_indirect_dma source(%dma_start3A_330 : memref<251904x128xf32, #tpu.memory_space<hbm>>) target(%arg7 : memref<256x128xf32, #tpu.memory_space<vmem>>) offsets(%dma_start3A_327 : memref<256xi32, #tpu.memory_space<vmem>>) semaphore(%arg9 : memref<!tpu.dma_semaphore, #tpu.memory_space<semaphore_mem>>)
    %dma_wait3A_331 = arith.constant 5120 : i32
    %dma_wait3A_332 = tpu.memref_slice %arg5[%dma_wait3A_331] : memref<5632xi32, #tpu.memory_space<vmem>> -> memref<256xi32, #tpu.memory_space<vmem>>
    %dma_wait3A_333 = arith.constant 0 : i32
    %dma_wait3A_334 = arith.constant 0 : i32
    %dma_wait3A_335 = tpu.memref_slice %arg2[%dma_wait3A_333, %dma_wait3A_334] : memref<251904x128xf32, #tpu.memory_space<hbm>> -> memref<251904x128xf32, #tpu.memory_space<hbm>>
    tpu.wait_indirect_dma semaphore(%arg8 : memref<!tpu.dma_semaphore, #tpu.memory_space<semaphore_mem>>) src(%dma_wait3A_335 : memref<251904x128xf32, #tpu.memory_space<hbm>>) dst(%arg6 : memref<256x128xf32, #tpu.memory_space<vmem>>)
    %mul3A_336 = arith.constant 512 : i32
    %mul3A_337 = arith.muli %add3A, %mul3A_336 : i32
    %add3A_338 = arith.constant 163840 : i32
    %add3A_339 = arith.addi %add3A_338, %mul3A_337 : i32
    %add3A_340 = arith.constant 0 : i32
    %add3A_341 = arith.addi %add3A_339, %add3A_340 : i32
    "tpu.region"() ({
      %run_scoped3A = tpu.sem_alloc : memref<!tpu.dma_semaphore, #tpu.memory_space<semaphore_mem>>
      %dma_start3A_353 = arith.constant 0 : i32
      %dma_start3A_354 = tpu.memref_slice %arg4[%add3A_341, %dma_start3A_353] : memref<180224x128xf32, #tpu.memory_space<hbm>> -> memref<256x128xf32, #tpu.memory_space<hbm>>
      %dma_start3A_355 = arith.constant 0 : i32
      %dma_start3A_356 = tpu.memref_slice %arg4[%add3A_341, %dma_start3A_355] : memref<180224x128xf32, #tpu.memory_space<hbm>> -> memref<256x128xf32, #tpu.memory_space<hbm>>
      tpu.enqueue_dma source(%arg6 : memref<256x128xf32, #tpu.memory_space<vmem>>) target(%dma_start3A_356 : memref<256x128xf32, #tpu.memory_space<hbm>>) target_semaphore(%run_scoped3A : memref<!tpu.dma_semaphore, #tpu.memory_space<semaphore_mem>>)
      %dma_wait3A_357 = arith.constant 0 : i32
      %dma_wait3A_358 = tpu.memref_slice %arg4[%add3A_341, %dma_wait3A_357] : memref<180224x128xf32, #tpu.memory_space<hbm>> -> memref<256x128xf32, #tpu.memory_space<hbm>>
      %dma_wait3A_359 = arith.constant 0 : i32
      %dma_wait3A_360 = tpu.memref_slice %arg4[%add3A_341, %dma_wait3A_359] : memref<180224x128xf32, #tpu.memory_space<hbm>> -> memref<256x128xf32, #tpu.memory_space<hbm>>
      tpu.wait_dma2 semaphore(%run_scoped3A : memref<!tpu.dma_semaphore, #tpu.memory_space<semaphore_mem>>) src(%arg6 : memref<256x128xf32, #tpu.memory_space<vmem>>) dst(%dma_wait3A_360 : memref<256x128xf32, #tpu.memory_space<hbm>>)
      tpu.yield
    }) : () -> ()
    %dma_wait3A_342 = arith.constant 5376 : i32
    %dma_wait3A_343 = tpu.memref_slice %arg5[%dma_wait3A_342] : memref<5632xi32, #tpu.memory_space<vmem>> -> memref<256xi32, #tpu.memory_space<vmem>>
    %dma_wait3A_344 = arith.constant 0 : i32
    %dma_wait3A_345 = arith.constant 0 : i32
    %dma_wait3A_346 = tpu.memref_slice %arg2[%dma_wait3A_344, %dma_wait3A_345] : memref<251904x128xf32, #tpu.memory_space<hbm>> -> memref<251904x128xf32, #tpu.memory_space<hbm>>
    tpu.wait_indirect_dma semaphore(%arg9 : memref<!tpu.dma_semaphore, #tpu.memory_space<semaphore_mem>>) src(%dma_wait3A_346 : memref<251904x128xf32, #tpu.memory_space<hbm>>) dst(%arg7 : memref<256x128xf32, #tpu.memory_space<vmem>>)
    %mul3A_347 = arith.constant 512 : i32
    %mul3A_348 = arith.muli %add3A, %mul3A_347 : i32
    %add3A_349 = arith.constant 163840 : i32
    %add3A_350 = arith.addi %add3A_349, %mul3A_348 : i32
    %add3A_351 = arith.constant 256 : i32
    %add3A_352 = arith.addi %add3A_350, %add3A_351 : i32
    "tpu.region"() ({
      %run_scoped3A = tpu.sem_alloc : memref<!tpu.dma_semaphore, #tpu.memory_space<semaphore_mem>>
      %dma_start3A_353 = arith.constant 0 : i32
      %dma_start3A_354 = tpu.memref_slice %arg4[%add3A_352, %dma_start3A_353] : memref<180224x128xf32, #tpu.memory_space<hbm>> -> memref<256x128xf32, #tpu.memory_space<hbm>>
      %dma_start3A_355 = arith.constant 0 : i32
      %dma_start3A_356 = tpu.memref_slice %arg4[%add3A_352, %dma_start3A_355] : memref<180224x128xf32, #tpu.memory_space<hbm>> -> memref<256x128xf32, #tpu.memory_space<hbm>>
      tpu.enqueue_dma source(%arg7 : memref<256x128xf32, #tpu.memory_space<vmem>>) target(%dma_start3A_356 : memref<256x128xf32, #tpu.memory_space<hbm>>) target_semaphore(%run_scoped3A : memref<!tpu.dma_semaphore, #tpu.memory_space<semaphore_mem>>)
      %dma_wait3A_357 = arith.constant 0 : i32
      %dma_wait3A_358 = tpu.memref_slice %arg4[%add3A_352, %dma_wait3A_357] : memref<180224x128xf32, #tpu.memory_space<hbm>> -> memref<256x128xf32, #tpu.memory_space<hbm>>
      %dma_wait3A_359 = arith.constant 0 : i32
      %dma_wait3A_360 = tpu.memref_slice %arg4[%add3A_352, %dma_wait3A_359] : memref<180224x128xf32, #tpu.memory_space<hbm>> -> memref<256x128xf32, #tpu.memory_space<hbm>>
      tpu.wait_dma2 semaphore(%run_scoped3A : memref<!tpu.dma_semaphore, #tpu.memory_space<semaphore_mem>>) src(%arg7 : memref<256x128xf32, #tpu.memory_space<vmem>>) dst(%dma_wait3A_360 : memref<256x128xf32, #tpu.memory_space<hbm>>)
      tpu.yield
    }) : () -> ()
    return
  }
}

module attributes {stable_mosaic.version = 14 : i64} {
  func.func @_relayout_kernel(%arg0: i32, %arg1: memref<64x24576xf32, #tpu.memory_space<vmem>>, %arg2: memref<6144x128xf32, #tpu.memory_space<vmem>>) attributes {dimension_semantics = [#tpu.dimension_semantics<parallel>], iteration_bounds = array<i64: 41>, scalar_prefetch = 0 : i64, scratch_operands = 0 : i64, tpu.core_type = #tpu.core_type<tc>, window_params = [{transform_indices = @transform_0, window_bounds = array<i64: 64, 24576>}, {transform_indices = @transform_1, window_bounds = array<i64: 6144, 128>}]} {
    %get3A = arith.constant 0 : index
    %get3A_0 = arith.constant 0 : index
    %get3A_1 = vector.load %arg1[%get3A, %get3A_0] : memref<64x24576xf32, #tpu.memory_space<vmem>>, vector<64x24576xf32>
    %iota3A = tpu.iota {dimensions = array<i32: 0>} : vector<64x64xi32>
    %iota3A_2 = tpu.iota {dimensions = array<i32: 1>} : vector<64x64xi32>
    %eq3A = arith.cmpi eq, %iota3A, %iota3A_2 : vector<64x64xi32>
    %convert_element_type3A = arith.extui %eq3A : vector<64x64xi1> to vector<64x64xi32>
    %convert_element_type3A_3 = arith.sitofp %convert_element_type3A : vector<64x64xi32> to vector<64x64xf32>
    %slice3A = vector.extract_strided_slice %get3A_1 {offsets = [0, 0], sizes = [64, 12288], strides = [1, 1]} : vector<64x24576xf32> to vector<64x12288xf32>
    %dot_general3A = arith.constant dense<0.000000e+00> : vector<12288x64xf32>
    %dot_general3A_4 = tpu.matmul %slice3A, %convert_element_type3A_3, %dot_general3A {dimension_numbers = #tpu.dot_dimension_numbers<[0], [0], [1], [1], [0, 1, 1, 1], [], []>, transpose_lhs_hint = false} : vector<64x12288xf32>, vector<64x64xf32>, vector<12288x64xf32> -> vector<12288x64xf32>
    %slice3A_5 = vector.extract_strided_slice %get3A_1 {offsets = [0, 12288], sizes = [64, 12288], strides = [1, 1]} : vector<64x24576xf32> to vector<64x12288xf32>
    %dot_general3A_6 = arith.constant dense<0.000000e+00> : vector<12288x64xf32>
    %dot_general3A_7 = tpu.matmul %slice3A_5, %convert_element_type3A_3, %dot_general3A_6 {dimension_numbers = #tpu.dot_dimension_numbers<[0], [0], [1], [1], [0, 1, 1, 1], [], []>, transpose_lhs_hint = false} : vector<64x12288xf32>, vector<64x64xf32>, vector<12288x64xf32> -> vector<12288x64xf32>
    %concatenate3A = tpu.concatenate %dot_general3A_4, %dot_general3A_7 in 1 : vector<12288x64xf32>, vector<12288x64xf32> -> vector<12288x128xf32>
    %convert_element_type3A_8 = arith.truncf %concatenate3A : vector<12288x128xf32> to vector<12288x128xbf16>
    %bitcast3A = tpu.bitcast %convert_element_type3A_8 : vector<12288x128xbf16> -> vector<6144x128xf32>
    %swap3A = arith.constant 0 : index
    %swap3A_9 = arith.constant 0 : index
    %swap3A_10 = vector.load %arg2[%swap3A, %swap3A_9] : memref<6144x128xf32, #tpu.memory_space<vmem>>, vector<6144x128xf32>
    tpu.vector_store %arg2[%swap3A, %swap3A_9], %bitcast3A {strides = array<i32>} : memref<6144x128xf32, #tpu.memory_space<vmem>>, vector<6144x128xf32>,
    return
  }
  func.func @transform_0(%arg0: i32) -> (i32, i32) {
    %c0_i32 = arith.constant 0 : i32
    %c0_i32_0 = arith.constant 0 : i32
    return %c0_i32, %arg0 : i32, i32
  }
  func.func @transform_1(%arg0: i32) -> (i32, i32) {
    %c0_i32 = arith.constant 0 : i32
    %c0_i32_0 = arith.constant 0 : i32
    return %arg0, %c0_i32 : i32, i32
  }
}

module attributes {stable_mosaic.version = 14 : i64} {
  func.func @_loss_kernel(%arg0: i32, %arg1: i32, %arg2: memref<1024x128xf32, #tpu.memory_space<vmem>>, %arg3: memref<11x1024x128xf32, #tpu.memory_space<vmem>>, %arg4: memref<16x1024xf32, #tpu.memory_space<vmem>>, %arg5: memref<1x1x1xf32, #tpu.memory_space<vmem>>) attributes {dimension_semantics = [#tpu.dimension_semantics<parallel>, #tpu.dimension_semantics<arbitrary>], iteration_bounds = array<i64: 2, 8>, scalar_prefetch = 0 : i64, scratch_operands = 0 : i64, tpu.core_type = #tpu.core_type<tc>, window_params = [{transform_indices = @transform_0, window_bounds = array<i64: 1024, 128>}, {transform_indices = @transform_1, window_bounds = array<i64: 11, 1024, 128>}, {transform_indices = @transform_2, window_bounds = array<i64: 16, 1024>}, {transform_indices = @transform_3, window_bounds = array<i64: 1, 1, 1>}]} {
    %get3A = arith.constant 0 : index
    %get3A_0 = arith.constant 0 : index
    %get3A_1 = vector.load %arg2[%get3A, %get3A_0] : memref<1024x128xf32, #tpu.memory_space<vmem>>, vector<1024x128xf32>
    %get3A_2 = arith.constant 0 : index
    %get3A_3 = arith.constant 0 : index
    %get3A_4 = arith.constant 0 : index
    %get3A_5 = vector.load %arg3[%get3A_2, %get3A_3, %get3A_4] : memref<11x1024x128xf32, #tpu.memory_space<vmem>>, vector<11x1024x128xf32>
    %get3A_6 = arith.constant 0 : index
    %get3A_7 = arith.constant 0 : index
    %get3A_8 = vector.load %arg4[%get3A_6, %get3A_7] : memref<16x1024xf32, #tpu.memory_space<vmem>>, vector<16x1024xf32>
    %slice3A = vector.extract_strided_slice %get3A_8 {offsets = [0, 0], sizes = [1, 1024], strides = [1, 1]} : vector<16x1024xf32> to vector<1x1024xf32>
    %squeeze3A = vector.shape_cast %slice3A : vector<1x1024xf32> to vector<1024xf32>
    %bitcast_convert_type3A = tpu.bitcast %get3A_1 : vector<1024x128xf32> -> vector<1024x128xi32>
    %jit3A = arith.constant 2 : i32
    %convert_element_type3A = arith.sitofp %jit3A : i32 to f32
    %rem3A = vector.broadcast %convert_element_type3A : f32 to vector<1024xf32>
    %rem3A_9 = arith.remf %squeeze3A, %rem3A : vector<1024xf32>
    %ne3A = arith.constant 0.000000e+00 : f32
    %ne3A_10 = vector.broadcast %ne3A : f32 to vector<1024xf32>
    %ne3A_11 = arith.cmpf one, %rem3A_9, %ne3A_10 : vector<1024xf32>
    %lt3A = arith.constant 0.000000e+00 : f32
    %lt3A_12 = vector.broadcast %lt3A : f32 to vector<1024xf32>
    %lt3A_13 = arith.cmpf olt, %rem3A_9, %lt3A_12 : vector<1024xf32>
    %lt3A_14 = arith.constant 0.000000e+00 : f32
    %lt3A_15 = arith.cmpf olt, %convert_element_type3A, %lt3A_14 : f32
    %ne3A_16 = vector.broadcast %lt3A_15 : i1 to vector<1024xi1>
    %ne3A_17 = vector.broadcast %ne3A_16 : vector<1024xi1> to vector<1024xi1>
    %ne3A_18 = arith.xori %lt3A_13, %ne3A_17 : vector<1024xi1>
    %and3A = arith.andi %ne3A_18, %ne3A_11 : vector<1024xi1>
    %add3A = vector.broadcast %convert_element_type3A : f32 to vector<1024xf32>
    %add3A_19 = arith.addf %rem3A_9, %add3A : vector<1024xf32>
    %select_n3A = arith.select %and3A, %add3A_19, %rem3A_9 : vector<1024xi1>, vector<1024xf32>
    %broadcast_in_dim3A = vector.shape_cast %select_n3A : vector<1024xf32> to vector<1024x1xf32>
    %eq3A = arith.constant 1.000000e+00 : f32
    %eq3A_20 = vector.broadcast %eq3A : f32 to vector<1024x1xf32>
    %eq3A_21 = arith.cmpf oeq, %broadcast_in_dim3A, %eq3A_20 : vector<1024x1xf32>
    %and3A_22 = arith.constant -65536 : i32
    %and3A_23 = vector.broadcast %and3A_22 : i32 to vector<1024x128xi32>
    %and3A_24 = arith.andi %bitcast_convert_type3A, %and3A_23 : vector<1024x128xi32>
    %shift_left3A = arith.constant 16 : i32
    %shift_left3A_25 = vector.broadcast %shift_left3A : i32 to vector<1024x128xi32>
    %shift_left3A_26 = arith.shli %bitcast_convert_type3A, %shift_left3A_25 : vector<1024x128xi32>
    %broadcast_in_dim3A_27 = vector.shape_cast %eq3A_21 : vector<1024x1xi1> to vector<1024x1xi1>
    %broadcast_in_dim3A_28 = vector.broadcast %broadcast_in_dim3A_27 : vector<1024x1xi1> to vector<1024x128xi1>
    %select_n3A_29 = arith.select %broadcast_in_dim3A_28, %and3A_24, %shift_left3A_26 : vector<1024x128xi1>, vector<1024x128xi32>
    %bitcast_convert_type3A_30 = tpu.bitcast %select_n3A_29 : vector<1024x128xi32> -> vector<1024x128xf32>
    %slice3A_31 = vector.extract_strided_slice %get3A_8 {offsets = [0, 0], sizes = [1, 1024], strides = [1, 1]} : vector<16x1024xf32> to vector<1x1024xf32>
    %squeeze3A_32 = vector.shape_cast %slice3A_31 : vector<1x1024xf32> to vector<1024xf32>
    %broadcast_in_dim3A_33 = vector.shape_cast %squeeze3A_32 : vector<1024xf32> to vector<1024x1xf32>
    %ge3A = arith.constant 2.000000e+00 : f32
    %ge3A_34 = vector.broadcast %ge3A : f32 to vector<1024x1xf32>
    %ge3A_35 = arith.cmpf oge, %broadcast_in_dim3A_33, %ge3A_34 : vector<1024x1xf32>
    %slice3A_36 = vector.extract_strided_slice %bitcast_convert_type3A_30 {offsets = [0, 64], sizes = [1024, 64], strides = [1, 1]} : vector<1024x128xf32> to vector<1024x64xf32>
    %slice3A_37 = vector.extract_strided_slice %bitcast_convert_type3A_30 {offsets = [0, 0], sizes = [1024, 64], strides = [1, 1]} : vector<1024x128xf32> to vector<1024x64xf32>
    %broadcast_in_dim3A_38 = vector.shape_cast %ge3A_35 : vector<1024x1xi1> to vector<1024x1xi1>
    %broadcast_in_dim3A_39 = vector.broadcast %broadcast_in_dim3A_38 : vector<1024x1xi1> to vector<1024x64xi1>
    %select_n3A_40 = arith.select %broadcast_in_dim3A_39, %slice3A_36, %slice3A_37 : vector<1024x64xi1>, vector<1024x64xf32>
    %concatenate3A = tpu.concatenate %select_n3A_40, %select_n3A_40 in 1 : vector<1024x64xf32>, vector<1024x64xf32> -> vector<1024x128xf32>
    %slice3A_41 = vector.extract_strided_slice %get3A_8 {offsets = [1, 0], sizes = [11, 1024], strides = [1, 1]} : vector<16x1024xf32> to vector<11x1024xf32>
    %bitcast_convert_type3A_42 = tpu.bitcast %get3A_5 : vector<11x1024x128xf32> -> vector<11x1024x128xi32>
    %jit3A_43 = arith.constant 2 : i32
    %convert_element_type3A_44 = arith.sitofp %jit3A_43 : i32 to f32
    %rem3A_45 = vector.broadcast %convert_element_type3A_44 : f32 to vector<11x1024xf32>
    %rem3A_46 = arith.remf %slice3A_41, %rem3A_45 : vector<11x1024xf32>
    %ne3A_47 = arith.constant 0.000000e+00 : f32
    %ne3A_48 = vector.broadcast %ne3A_47 : f32 to vector<11x1024xf32>
    %ne3A_49 = arith.cmpf one, %rem3A_46, %ne3A_48 : vector<11x1024xf32>
    %lt3A_50 = arith.constant 0.000000e+00 : f32
    %lt3A_51 = vector.broadcast %lt3A_50 : f32 to vector<11x1024xf32>
    %lt3A_52 = arith.cmpf olt, %rem3A_46, %lt3A_51 : vector<11x1024xf32>
    %lt3A_53 = arith.constant 0.000000e+00 : f32
    %lt3A_54 = arith.cmpf olt, %convert_element_type3A_44, %lt3A_53 : f32
    %ne3A_55 = vector.broadcast %lt3A_54 : i1 to vector<11x1024xi1>
    %ne3A_56 = vector.broadcast %ne3A_55 : vector<11x1024xi1> to vector<11x1024xi1>
    %ne3A_57 = arith.xori %lt3A_52, %ne3A_56 : vector<11x1024xi1>
    %and3A_58 = arith.andi %ne3A_57, %ne3A_49 : vector<11x1024xi1>
    %add3A_59 = vector.broadcast %convert_element_type3A_44 : f32 to vector<11x1024xf32>
    %add3A_60 = arith.addf %rem3A_46, %add3A_59 : vector<11x1024xf32>
    %select_n3A_61 = arith.select %and3A_58, %add3A_60, %rem3A_46 : vector<11x1024xi1>, vector<11x1024xf32>
    %broadcast_in_dim3A_62 = vector.shape_cast %select_n3A_61 : vector<11x1024xf32> to vector<11x1024x1xf32>
    %eq3A_63 = arith.constant 1.000000e+00 : f32
    %eq3A_64 = vector.broadcast %eq3A_63 : f32 to vector<11x1024x1xf32>
    %eq3A_65 = arith.cmpf oeq, %broadcast_in_dim3A_62, %eq3A_64 : vector<11x1024x1xf32>
    %and3A_66 = arith.constant -65536 : i32
    %and3A_67 = vector.broadcast %and3A_66 : i32 to vector<11x1024x128xi32>
    %and3A_68 = arith.andi %bitcast_convert_type3A_42, %and3A_67 : vector<11x1024x128xi32>
    %shift_left3A_69 = arith.constant 16 : i32
    %shift_left3A_70 = vector.broadcast %shift_left3A_69 : i32 to vector<11x1024x128xi32>
    %shift_left3A_71 = arith.shli %bitcast_convert_type3A_42, %shift_left3A_70 : vector<11x1024x128xi32>
    %broadcast_in_dim3A_72 = vector.shape_cast %eq3A_65 : vector<11x1024x1xi1> to vector<11x1024x1xi1>
    %broadcast_in_dim3A_73 = vector.broadcast %broadcast_in_dim3A_72 : vector<11x1024x1xi1> to vector<11x1024x128xi1>
    %select_n3A_74 = arith.select %broadcast_in_dim3A_73, %and3A_68, %shift_left3A_71 : vector<11x1024x128xi1>, vector<11x1024x128xi32>
    %bitcast_convert_type3A_75 = tpu.bitcast %select_n3A_74 : vector<11x1024x128xi32> -> vector<11x1024x128xf32>
    %broadcast_in_dim3A_76 = vector.shape_cast %concatenate3A : vector<1024x128xf32> to vector<1x1024x128xf32>
    %mul3A = vector.broadcast %broadcast_in_dim3A_76 : vector<1x1024x128xf32> to vector<11x1024x128xf32>
    %mul3A_77 = arith.mulf %mul3A, %bitcast_convert_type3A_75 : vector<11x1024x128xf32>
    %iota3A = tpu.iota {dimensions = array<i32: 0>} : vector<128x8xi32>
    %iota3A_78 = tpu.iota {dimensions = array<i32: 1>} : vector<128x8xi32>
    %jit3A_79 = arith.constant 64 : i32
    %div3A = vector.broadcast %jit3A_79 : i32 to vector<128x8xi32>
    %div3A_80 = arith.divsi %iota3A, %div3A : vector<128x8xi32>
    %sign3A = arith.constant 0 : i32
    %sign3A_81 = vector.broadcast %sign3A : i32 to vector<128x8xi32>
    %sign3A_82 = arith.cmpi sgt, %iota3A, %sign3A_81 : vector<128x8xi32>
    %sign3A_83 = arith.extui %sign3A_82 : vector<128x8xi1> to vector<128x8xi32>
    %sign3A_84 = arith.constant 0 : i32
    %sign3A_85 = vector.broadcast %sign3A_84 : i32 to vector<128x8xi32>
    %sign3A_86 = arith.cmpi slt, %iota3A, %sign3A_85 : vector<128x8xi32>
    %sign3A_87 = arith.extui %sign3A_86 : vector<128x8xi1> to vector<128x8xi32>
    %sign3A_88 = arith.subi %sign3A_83, %sign3A_87 : vector<128x8xi32>
    %sign3A_89 = arith.constant 0 : i32
    %sign3A_90 = arith.cmpi sgt, %jit3A_79, %sign3A_89 : i32
    %sign3A_91 = arith.extui %sign3A_90 : i1 to i32
    %sign3A_92 = arith.constant 0 : i32
    %sign3A_93 = arith.cmpi slt, %jit3A_79, %sign3A_92 : i32
    %sign3A_94 = arith.extui %sign3A_93 : i1 to i32
    %sign3A_95 = arith.subi %sign3A_91, %sign3A_94 : i32
    %ne3A_96 = vector.broadcast %sign3A_95 : i32 to vector<128x8xi32>
    %ne3A_97 = arith.cmpi ne, %sign3A_88, %ne3A_96 : vector<128x8xi32>
    %rem3A_98 = vector.broadcast %jit3A_79 : i32 to vector<128x8xi32>
    %rem3A_99 = arith.remsi %iota3A, %rem3A_98 : vector<128x8xi32>
    %ne3A_100 = arith.constant 0 : i32
    %ne3A_101 = vector.broadcast %ne3A_100 : i32 to vector<128x8xi32>
    %ne3A_102 = arith.cmpi ne, %rem3A_99, %ne3A_101 : vector<128x8xi32>
    %and3A_103 = arith.andi %ne3A_97, %ne3A_102 : vector<128x8xi1>
    %sub3A = arith.constant 1 : i32
    %sub3A_104 = vector.broadcast %sub3A : i32 to vector<128x8xi32>
    %sub3A_105 = arith.subi %div3A_80, %sub3A_104 : vector<128x8xi32>
    %select_n3A_106 = arith.select %and3A_103, %sub3A_105, %div3A_80 : vector<128x8xi1>, vector<128x8xi32>
    %eq3A_107 = arith.cmpi eq, %iota3A_78, %select_n3A_106 : vector<128x8xi32>
    %lt3A_108 = arith.constant 2 : i32
    %lt3A_109 = vector.broadcast %lt3A_108 : i32 to vector<128x8xi32>
    %lt3A_110 = arith.cmpi slt, %iota3A_78, %lt3A_109 : vector<128x8xi32>
    %and3A_111 = arith.andi %eq3A_107, %lt3A_110 : vector<128x8xi1>
    %convert_element_type3A_112 = arith.extui %and3A_111 : vector<128x8xi1> to vector<128x8xi32>
    %convert_element_type3A_113 = arith.sitofp %convert_element_type3A_112 : vector<128x8xi32> to vector<128x8xf32>
    %reshape3A = vector.shape_cast %mul3A_77 : vector<11x1024x128xf32> to vector<11264x128xf32>
    %dot_general3A = arith.constant dense<0.000000e+00> : vector<11264x8xf32>
    %dot_general3A_114 = tpu.matmul %reshape3A, %convert_element_type3A_113, %dot_general3A {dimension_numbers = #tpu.dot_dimension_numbers<[1], [0], [0], [1], [0, 0, 1, 1], [], []>, transpose_lhs_hint = false} : vector<11264x128xf32>, vector<128x8xf32>, vector<11264x8xf32> -> vector<11264x8xf32>
    %transpose3A = tpu.transpose %dot_general3A_114, [1, 0] : vector<11264x8xf32> -> vector<8x11264xf32>
    %slice3A_115 = vector.extract_strided_slice %transpose3A {offsets = [0, 0], sizes = [1, 11264], strides = [1, 1]} : vector<8x11264xf32> to vector<1x11264xf32>
    %squeeze3A_116 = vector.shape_cast %slice3A_115 : vector<1x11264xf32> to vector<11264xf32>
    %slice3A_117 = vector.extract_strided_slice %transpose3A {offsets = [1, 0], sizes = [1, 11264], strides = [1, 1]} : vector<8x11264xf32> to vector<1x11264xf32>
    %squeeze3A_118 = vector.shape_cast %slice3A_117 : vector<1x11264xf32> to vector<11264xf32>
    %slice3A_119 = vector.extract_strided_slice %get3A_8 {offsets = [1, 0], sizes = [11, 1024], strides = [1, 1]} : vector<16x1024xf32> to vector<11x1024xf32>
    %reshape3A_120 = vector.shape_cast %slice3A_119 : vector<11x1024xf32> to vector<11264xf32>
    %ge3A_121 = arith.constant 2.000000e+00 : f32
    %ge3A_122 = vector.broadcast %ge3A_121 : f32 to vector<11264xf32>
    %ge3A_123 = arith.cmpf oge, %reshape3A_120, %ge3A_122 : vector<11264xf32>
    %convert_element_type3A_124 = arith.extui %ge3A_123 : vector<11264xi1> to vector<11264xi32>
    %convert_element_type3A_125 = arith.sitofp %convert_element_type3A_124 : vector<11264xi32> to vector<11264xf32>
    %sub3A_126 = arith.subf %squeeze3A_118, %squeeze3A_116 : vector<11264xf32>
    %mul3A_127 = arith.mulf %convert_element_type3A_125, %sub3A_126 : vector<11264xf32>
    %add3A_128 = arith.addf %squeeze3A_116, %mul3A_127 : vector<11264xf32>
    %slice3A_129 = vector.extract_strided_slice %add3A_128 {offsets = [0], sizes = [1024], strides = [1]} : vector<11264xf32> to vector<1024xf32>
    %neg3A = arith.constant 0.000000e+00 : f32
    %neg3A_130 = vector.broadcast %neg3A : f32 to vector<1024xf32>
    %neg3A_131 = arith.subf %neg3A_130, %slice3A_129 : vector<1024xf32>
    %max3A = arith.constant 0.000000e+00 : f32
    %max3A_132 = vector.broadcast %max3A : f32 to vector<1024xf32>
    %max3A_133 = arith.maximumf %neg3A_131, %max3A_132 : vector<1024xf32>
    %abs3A = math.absf %neg3A_131 : vector<1024xf32>
    %neg3A_134 = arith.constant 0.000000e+00 : f32
    %neg3A_135 = vector.broadcast %neg3A_134 : f32 to vector<1024xf32>
    %neg3A_136 = arith.subf %neg3A_135, %abs3A : vector<1024xf32>
    %exp3A = math.exp %neg3A_136 : vector<1024xf32>
    %log1p3A = math.log1p %exp3A : vector<1024xf32>
    %add3A_137 = arith.addf %max3A_133, %log1p3A : vector<1024xf32>
    %reduce_sum3A = vector.shape_cast %add3A_137 : vector<1024xf32> to vector<1x1024xf32>
    %reduce_sum3A_138 = arith.constant dense<0.000000e+00> : vector<1xf32>
    %reduce_sum3A_139 = vector.multi_reduction <add>, %reduce_sum3A, %reduce_sum3A_138 [1] : vector<1x1024xf32> to vector<1xf32>
    %reduce_sum3A_140 = vector.shape_cast %reduce_sum3A_139 : vector<1xf32> to vector<1x1xf32>
    %reduce_sum3A_141 = vector.extract %reduce_sum3A_140[0, 0] : f32 from vector<1x1xf32>
    %slice3A_142 = vector.extract_strided_slice %add3A_128 {offsets = [1024], sizes = [10240], strides = [1]} : vector<11264xf32> to vector<10240xf32>
    %max3A_143 = arith.constant 0.000000e+00 : f32
    %max3A_144 = vector.broadcast %max3A_143 : f32 to vector<10240xf32>
    %max3A_145 = arith.maximumf %slice3A_142, %max3A_144 : vector<10240xf32>
    %abs3A_146 = math.absf %slice3A_142 : vector<10240xf32>
    %neg3A_147 = arith.constant 0.000000e+00 : f32
    %neg3A_148 = vector.broadcast %neg3A_147 : f32 to vector<10240xf32>
    %neg3A_149 = arith.subf %neg3A_148, %abs3A_146 : vector<10240xf32>
    %exp3A_150 = math.exp %neg3A_149 : vector<10240xf32>
    %log1p3A_151 = math.log1p %exp3A_150 : vector<10240xf32>
    %add3A_152 = arith.addf %max3A_145, %log1p3A_151 : vector<10240xf32>
    %reduce_sum3A_153 = vector.shape_cast %add3A_152 : vector<10240xf32> to vector<1x10240xf32>
    %reduce_sum3A_154 = arith.constant dense<0.000000e+00> : vector<1xf32>
    %reduce_sum3A_155 = vector.multi_reduction <add>, %reduce_sum3A_153, %reduce_sum3A_154 [1] : vector<1x10240xf32> to vector<1xf32>
    %reduce_sum3A_156 = vector.shape_cast %reduce_sum3A_155 : vector<1xf32> to vector<1x1xf32>
    %reduce_sum3A_157 = vector.extract %reduce_sum3A_156[0, 0] : f32 from vector<1x1xf32>
    %add3A_158 = arith.addf %reduce_sum3A_141, %reduce_sum3A_157 : f32
    %eq3A_159 = arith.constant 0 : i32
    %eq3A_160 = arith.cmpi eq, %arg1, %eq3A_159 : i32
    %convert_element_type3A_161 = arith.extui %eq3A_160 : i1 to i32
    %cond3A = arith.constant 0 : i32
    %cond3A_162 = arith.cmpi ne, %convert_element_type3A_161, %cond3A : i32
    scf.if %cond3A_162 {
      %broadcast_in_dim3A_172 = arith.constant 0.000000e+00 : f32
      %broadcast_in_dim3A_173 = vector.broadcast %broadcast_in_dim3A_172 : f32 to vector<1x1x1xf32>
      %swap3A_174 = arith.constant 0 : index
      %swap3A_175 = arith.constant 0 : index
      %swap3A_176 = arith.constant 0 : index
      %swap3A_177 = vector.load %arg5[%swap3A_174, %swap3A_175, %swap3A_176] : memref<1x1x1xf32, #tpu.memory_space<vmem>>, vector<1x1x1xf32>
      tpu.vector_store %arg5[%swap3A_174, %swap3A_175, %swap3A_176], %broadcast_in_dim3A_173 {strides = array<i32>} : memref<1x1x1xf32, #tpu.memory_space<vmem>>, vector<1x1x1xf32>,
    } else {
    }
    %get3A_163 = arith.constant 0 : index
    %get3A_164 = arith.constant 0 : index
    %get3A_165 = arith.constant 0 : index
    %get3A_166 = vector.load %arg5[%get3A_163, %get3A_164, %get3A_165] : memref<1x1x1xf32, #tpu.memory_space<vmem>>, vector<1x1x1xf32>
    %add3A_167 = vector.broadcast %add3A_158 : f32 to vector<1x1x1xf32>
    %add3A_168 = arith.addf %get3A_166, %add3A_167 : vector<1x1x1xf32>
    %swap3A = arith.constant 0 : index
    %swap3A_169 = arith.constant 0 : index
    %swap3A_170 = arith.constant 0 : index
    %swap3A_171 = vector.load %arg5[%swap3A, %swap3A_169, %swap3A_170] : memref<1x1x1xf32, #tpu.memory_space<vmem>>, vector<1x1x1xf32>
    tpu.vector_store %arg5[%swap3A, %swap3A_169, %swap3A_170], %add3A_168 {strides = array<i32>} : memref<1x1x1xf32, #tpu.memory_space<vmem>>, vector<1x1x1xf32>,
    return
  }
  func.func @transform_0(%arg0: i32, %arg1: i32) -> (i32, i32) {
    %mul3A = arith.constant 8 : i32
    %mul3A_0 = arith.muli %arg0, %mul3A : i32
    %add3A = arith.addi %mul3A_0, %arg1 : i32
    %c0_i32 = arith.constant 0 : i32
    %c0_i32_1 = arith.constant 0 : i32
    return %add3A, %c0_i32 : i32, i32
  }
  func.func @transform_1(%arg0: i32, %arg1: i32) -> (i32, i32, i32) {
    %mul3A = arith.constant 8 : i32
    %mul3A_0 = arith.muli %arg0, %mul3A : i32
    %add3A = arith.addi %mul3A_0, %arg1 : i32
    %c0_i32 = arith.constant 0 : i32
    %c0_i32_1 = arith.constant 0 : i32
    %c0_i32_2 = arith.constant 0 : i32
    return %c0_i32, %add3A, %c0_i32_1 : i32, i32, i32
  }
  func.func @transform_2(%arg0: i32, %arg1: i32) -> (i32, i32) {
    %mul3A = arith.constant 8 : i32
    %mul3A_0 = arith.muli %arg0, %mul3A : i32
    %add3A = arith.addi %mul3A_0, %arg1 : i32
    %c0_i32 = arith.constant 0 : i32
    %c0_i32_1 = arith.constant 0 : i32
    return %c0_i32, %add3A : i32, i32
  }
  func.func @transform_3(%arg0: i32, %arg1: i32) -> (i32, i32, i32) {
    %c0_i32 = arith.constant 0 : i32
    %c0_i32_0 = arith.constant 0 : i32
    %c0_i32_1 = arith.constant 0 : i32
    return %arg0, %c0_i32, %c0_i32_0 : i32, i32, i32
  }
}

</mosaic_0001>

<sc_bundles>
// kernel: kernel.10.cloned.1.call-start
scs
__scs_entry_jumppad:
0x0: {  	(pc) =	sbr.rel $0x88, $3  }
0x1: {  	(tag) =	ssettag $0x0;
	lr =	simm.s32 $0x1  }
0x2: {  	[smem:$0x3F9C] =	sst lr;
	_ =	strace $0xD0000000  }
0x3: {  	_ = 	snop  }
0x4: {  	_ = 	snop  }
0x5: {  	_ = 	snop  }
0x6: {  	_ = 	snop  }
0x7: {  	_ = 	snop  }
__scs_overlays_trampoline_lowered:
0x8: {  	[smem:$0x3FAB] =	sst s0  }
0x9: {  	[smem:$0x3FAC] =	sst s1  }
0xa: {  	[smem:$0x3FAD] =	sst s2  }
0xb: {  	[smem:$0x3FAE] =	sst s3  }
0xc: {  	[smem:$0x3FAF] =	sst s4  }
0xd: {  	[smem:$0x3FB0] =	sst s5  }
0xe: {  	[smem:$0x3FB1] =	sst s6  }
0xf: {  	[smem:$0x3FB2] =	sst s7  }
0x10: {  	[smem:$0x3FB3] =	sst s8  }
0x11: {  	[smem:$0x3FB4] =	sst s9;
	s0 =	simm.s32 @!p0 $0x0  }
0x12: {  	s1 =	sld [smem:$0x3F9A];
	s0 =	simm.s32 @p0 $0x1  }
0x13: {  	[smem:$0x3FB5] =	sst s0;
	s0 =	simm.s32 @!p1 $0x0  }
0x14: {  	s2 =	sld [smem:$0x3F99];
	s0 =	simm.s32 @p1 $0x1  }
0x15: {  	[smem:$0x3FB6] =	sst s0;
	s0 =	simm.s32 @!p2 $0x0  }
0x16: {  	s3 =	sld [smem:$0x3FDB];
	s0 =	simm.s32 @p2 $0x1  }
0x17: {  	s4 =	simm.s32 $0x1BF5;
	[smem:$0x3FB8] =	sst s0  }
0x18: {  	s0 =	sld [smem:$0x3F9B];
	_ =	swait.ge [sflag:s4], $0x0  }
0x19: {  	s7 =	sld [smem:$0x3F9C]  }
0x1a: {  	s8 =	sadd.s32 $0xFFFFE003, lr  }
0x1b: {  	s9 =	sadd.s32 $0xFFFFFEF7, lr;
	s5 =	simm.s32 $0xFFFFFFFF;
	p2 =	slt.u32 s8, $0xFFFFF086  }
0x1c: {  	p1 =	slt.u32 s9, $0xF7A;
	s5 =	simm.s32 @!p2 $0x0  }
0x1d: {  	s5 =	simm.s32 @p1 $0x1;
	p0 =	seq.s32 s7, s2  }
0x1e: {  	s7 =	smul.u32 @!p0 $0xF7A, s2;
	p2 =	seq.s32 @!p0 s5, $0x0  }
0x1f: {  	s9 =	smul.u32 $0xF7A, s1;
	s8 =	simm.s32 @!p0 $0x1BF5;
	p2 =	por !p2, p0  }
0x20: {  	[sflag:s8] =	ssyncset.s32 @!p0 $0xFFFFF086;
	s6 =	sadd.s32 @!p0 s3, s7;
	s7 =	simm.s32 @!p0 $0x108  }
0x21: {  	s3 =	sadd.s32 s3, s9;
	s6 =	sadd.s32 @!p0 $0x88, s6;
	s7 =	simm.s32 @p2 $0x1082  }
0x22: {  	[simem:s7], [sflag:s8] =	dma.local @!p0 [hbm:s6], $0xF7A  }
0x23: {  	s9 =	sor.u32 $0xD0000000, s2;
	s6 =	simm.s32 $0x108;
	_ =	swait.ge @!p0 [sflag:s8], $0x0  }
0x24: {  	s3 =	sadd.s32 $0x88, s3;
	s6 =	simm.s32 @!p1 $0x1082;
	[sflag:s4] =	ssyncset.s32 $0xFFFFF086  }
0x25: {  	[simem:s6], [sflag:s4] =	dma.local [hbm:s3], $0xF7A  }
0x26: {  	[smem:$0x3F9C] =	sst s1;
	(tag) =	ssettag s2;
	_ =	strace s9  }
0x27: {  	s1 =	sld [smem:$0x3FAC]  }
0x28: {  	s2 =	sld [smem:$0x3FAD]  }
0x29: {  	s4 =	sld [smem:$0x3FAF]  }
0x2a: {  	p0 =	seq.s32 s5, $0x0;
	s5 =	sld [smem:$0x3FB0]  }
0x2b: {  	s6 =	sld [smem:$0x3FB1]  }
0x2c: {  	s7 =	sld [smem:$0x3FB2]  }
0x2d: {  	s3 =	simm.s32 $0x108;
	s8 =	sld [smem:$0x3FB3]  }
0x2e: {  	s3 =	simm.s32 @!p0 $0x1082;
	s9 =	sld [smem:$0x3FB4]  }
0x2f: {  	lr =	sadd.s32 s0, s3;
	s0 =	sld [smem:$0x3FAB]  }
0x30: {  	s3 =	sld [smem:$0x3FAE]  }
0x31: {  	[smem:$0x3FB7] =	sst s10  }
0x32: {  	s10 =	sld [smem:$0x3FB5];
	_ =	sdelay $0x3  }
0x33: {  	p0 =	seq.s32 s10, $0x1;
	s10 =	sld [smem:$0x3FB7];
	_ =	sdelay $0x3  }
0x34: {  	[smem:$0x3FB7] =	sst s10  }
0x35: {  	s10 =	sld [smem:$0x3FB6];
	_ =	sdelay $0x3  }
0x36: {  	p1 =	seq.s32 s10, $0x1;
	s10 =	sld [smem:$0x3FB7];
	_ =	sdelay $0x3  }
0x37: {  	[smem:$0x3FB7] =	sst s10  }
0x38: {  	s10 =	sld [smem:$0x3FB8]  }
0x39: {  	_ = 	snop;
	(pc) =	sbr.ind lr, $3  }
0x3a: {  	_ = 	snop  }
0x3b: {  	_ = 	snop  }
0x3c: {  	p2 =	seq.s32 s10, $0x1;
	s10 =	sld [smem:$0x3FB7]  }
0x3d: {  	_ =	shalt  }
0x3e: {  	_ =	shalt  }
0x3f: {  	_ =	shalt  }
0x40: {  	_ =	shalt  }
0x41: {  	_ =	shalt  }
0x42: {  	_ =	shalt  }
0x43: {  	_ =	shalt  }
0x44: {  	_ =	shalt  }
0x45: {  	_ =	shalt  }
0x46: {  	_ =	shalt  }
0x47: {  	_ =	shalt  }
0x48: {  	_ =	shalt  }
0x49: {  	_ =	shalt  }
0x4a: {  	_ =	shalt  }
0x4b: {  	_ =	shalt  }
0x4c: {  	_ =	shalt  }
0x4d: {  	_ =	shalt  }
0x4e: {  	_ =	shalt  }
0x4f: {  	_ =	shalt  }
0x50: {  	_ =	shalt  }
0x51: {  	_ =	shalt  }
0x52: {  	_ =	shalt  }
0x53: {  	_ =	shalt  }
0x54: {  	_ =	shalt  }
0x55: {  	_ =	shalt  }
0x56: {  	_ =	shalt  }
0x57: {  	_ =	shalt  }
0x58: {  	_ =	shalt  }
0x59: {  	_ =	shalt  }
0x5a: {  	_ =	shalt  }
0x5b: {  	_ =	shalt  }
0x5c: {  	_ =	shalt  }
0x5d: {  	_ =	shalt  }
0x5e: {  	_ =	shalt  }
0x5f: {  	_ =	shalt  }
0x60: {  	_ =	shalt  }
0x61: {  	_ =	shalt  }
0x62: {  	_ =	shalt  }
0x63: {  	_ =	shalt  }
0x64: {  	_ =	shalt  }
0x65: {  	_ =	shalt  }
0x66: {  	_ =	shalt  }
0x67: {  	_ =	shalt  }
0x68: {  	_ =	shalt  }
0x69: {  	_ =	shalt  }
0x6a: {  	_ =	shalt  }
0x6b: {  	_ =	shalt  }
0x6c: {  	_ =	shalt  }
0x6d: {  	_ =	shalt  }
0x6e: {  	_ =	shalt  }
0x6f: {  	_ =	shalt  }
0x70: {  	_ =	shalt  }
0x71: {  	_ =	shalt  }
0x72: {  	_ =	shalt  }
0x73: {  	_ =	shalt  }
0x74: {  	_ =	shalt  }
0x75: {  	_ =	shalt  }
0x76: {  	_ =	shalt  }
0x77: {  	_ =	shalt  }
0x78: {  	_ =	shalt  }
0x79: {  	_ =	shalt  }
0x7a: {  	_ =	shalt  }
0x7b: {  	_ =	shalt  }
0x7c: {  	_ =	shalt  }
0x7d: {  	_ =	shalt  }
0x7e: {  	_ =	shalt  }
0x7f: {  	_ =	shalt  }
0x80: {  	_ =	shalt  }
0x81: {  	_ =	shalt  }
0x82: {  	_ =	shalt  }
0x83: {  	_ =	shalt  }
0x84: {  	_ =	shalt  }
0x85: {  	_ =	shalt  }
0x86: {  	_ =	shalt  }
0x87: {  	_ =	shalt  }
.Lfunc_end0:
.L_simem_size_0:
called_computation.1_lowered:
.L_overlay_start_0:
0x88: {  	s2 =	sld [smem:$0x3FD9]  }
0x89: {  	s3 =	sld [smem:$0x3FFE];
	_ =	sdelay $0x1  }
0x8a: {  	s1 =	srdreg.scid  }
0x8b: {  	s0 =	sand.u32 $0x1, s1  }
0x8c: {  	s17 =	sshll.u32 s0, $0xA;
	s2 =	sadd.s32 s3, s2  }
0x8d: {  	s2 =	sadd.s32 s2, s17  }
0x8e: {  	[smem:$0x3FC3] =	sst s2  }
0x8f: {  	_ = 	snop  }
0x90: {  	(tm) =	ssettm $0x1  }
0x91: {  	s18 =	sld [smem:$0x3FFB];
	_ =	sdelay $0x3  }
0x92: {  	_ =	strace s18  }
0x93: {  	s2 =	sld [smem:$0x3FFC];
	_ =	sdelay $0x3  }
0x94: {  	_ =	strace s2  }
0x95: {  	s2 =	sld [smem:$0x3FFD];
	_ =	sdelay $0x3  }
0x96: {  	_ =	strace s2  }
0x97: {  	_ =	strace $0x8FFFFFFF  }
0x98: {  	s19 =	sld [smem:$0x3FDB];
	_ =	sdelay $0x1  }
0x99: {  	s20 =	simm.s32 $_scs_section_size  }
0x9a: {  	s4 =	simm.s32 $_size__tile_overlayer_lowered;
	s5 =	simm.s32 $_tile_overlayer_lowered  }
0x9b: {  	s6 =	simm.s32 $0x1BFF;
	s21 =	sshll.u32 s5, $0x1;
	s3 =	sadd.s32 s20, s19  }
0x9c: {  	s22 =	simm.s32 $0x0;
	s4 =	sshll.u32 s4, $0x1;
	s5 =	sadd.s32 s21, s3  }
0x9d: {  	[timem:s22], [sflag:s6] =	dma.local [hbm:s5], s4  }
0x9e: {  	_ =	swait.ge [sflag:s6], s4  }
0x9f: {  	s4 =	ssub.s32 $0x0, s4;
	[sflag:s6] =	ssyncset.done $0x0  }
0xa0: {  	[sflag:s6] =	ssyncadd.s32 s4;
	_ =	sdelay $0x1  }
0xa1: {  	s23 =	simm.s32 $0x1B8B  }
0xa2: {  	_ =	swait.ge [sflag:s23], $0x1  }
0xa3: {  	[sflag:s23] =	ssyncset.done $0x0  }
0xa4: {  	[sflag:s23] =	ssyncadd.s32 $0xFFFFFFFF  }
0xa5: {  	s4 =	sld [smem:$0x0]  }
0xa6: {  	s5 =	sand.u32 $0xFFFFFFFE, s1  }
0xa7: {  	p0 =	sne.s32 s1, s5  }
0xa8: {  	s5 =	sshll.u32 @p0 s5, $0xE  }
0xa9: {  	s5 =	sadd.s32 @p0 $0x11B8D, s5;
	s6 =	sshll.u32 @p0 s4, $0x11  }
0xaa: {  	s5 =	sor.u32 @p0 s6, s5  }
0xab: {  	[sflag:s5] =	ssyncadd.remote.s32 @p0 $0x1;
	_ =	sdelay $0x1  }
0xac: {  	s5 =	simm.s32 @p0 $0x1B8D  }
0xad: {  	_ =	swait.eq @p0 [sflag:s5], $0x1  }
0xae: {  	[sflag:s5] =	ssyncadd.s32 @p0 $0xFFFFFFFF  }
0xaf: {  	s6 =	sshll.u32 @!p0 s1, $0xE  }
0xb0: {  	s6 =	sor.u32 @!p0 $0x4000, s6;
	s5 =	simm.s32 @!p0 $0x1B8D  }
0xb1: {  	s4 =	sshll.u32 @!p0 s4, $0x11;
	s6 =	sadd.s32 @!p0 $0x11B8D, s6;
	_ =	swait.eq @!p0 [sflag:s5], $0x1  }
0xb2: {  	s4 =	sor.u32 @!p0 s4, s6;
	[sflag:s5] =	ssyncadd.s32 @!p0 $0xFFFFFFFF  }
0xb3: {  	s25 =	simm.s32 $0x1B8E;
	s24 =	sld [smem:$0x3FFE];
	[sflag:s4] =	ssyncadd.remote.s32 @!p0 $0x1  }
0xb4: {  	s26 =	simm.s32 $execute0_lowered;
	[smem:$0x3FD2] =	sst s25  }
0xb5: {  	s5 =	sshll.u32 s26, $0x1;
	_ =	strace $0x80000049;
	[dreg:$0x1] =	wrdreg $0xFFFFFFFF  }
0xb6: {  	s28 =	simm.s32 $_size_execute0_lowered;
	s3 =	sadd.s32 s3, s5;
	[dreg:$0x0] =	wrdreg $0x0  }
0xb7: {  	s5 =	sshll.u32 s28, $0x1;
	[dreg:$0x2] =	wrdreg s3  }
0xb8: {  	[dreg:$0x3] =	wrdreg s5  }
0xb9: {  	[dreg:$0x4] =	wrdreg $0xC0  }
0xba: {  	_ =	task [dreg:s22], $0x5FFFF  }
0xbb: {  	[dreg:$0x1] =	wrdreg $0xFFFFFFFF  }
0xbc: {  	[dreg:$0x0] =	wrdreg $0x60  }
0xbd: {  	[dreg:$0x2] =	wrdreg s24  }
0xbe: {  	[dreg:$0x3] =	wrdreg $0xA  }
0xbf: {  	_ =	task.clear_ibuf [dreg:s22], $0x4FFFF;
	_ =	strace $0x90000049  }
0xc0: {  	s29 =	simm.s32 $0xA;
	_ =	strace $0x8000004B  }
0xc1: {  	_ =	swait.ge [sflag:s29], $0x1  }
0xc2: {  	[sflag:s29] =	ssyncadd.s32 $0xFFFFFFFF  }
0xc3: {  	_ =	strace $0x9000004B  }
0xc4: {  	_ =	sfence  }
0xc5: {  	s30 =	sld [smem:$0x0];
	_ =	sdelay $0x2  }
0xc6: {  	s31 =	sshll.u32 s1, $0xD;
	s1 =	sshrl.u32 s1, $0x2  }
0xc7: {  	s4 =	sand.u32 $0x4000, s31;
	s1 =	sadd.s32 s1, s30  }
0xc8: {  	s0 =	sor.u32 s4, s0;
	s1 =	sshll.u32 s1, $0x11  }
0xc9: {  	s0 =	sor.u32 s1, s0  }
0xca: {  	s0 =	sadd.s32 $0x8F2B, s0  }
0xcb: {  	[sflag:s0] =	ssyncadd.remote.s32 $0x1  }
0xcc: {  	_ =	sfence.sel $0xFFFF  }
0xcd: {  	[dreg:$0x0] =	wrdreg $0xFFFFFFFF;
	(pc) =	sbr.abs _section_cstart, $3  }
0xce: {  	[dreg:$0x1] =	wrdreg $0xFFFFFFFF  }
0xcf: {  	_ =	task.clear_ibuf [dreg:s22], $0x2FFFF;
	_ =	strace $0x9FFFFFFF  }
0xd0: {  	(tm) =	ssettm $0x7FFFFFFF  }
0xd1: {  	_ =	shalt  }
tec
execute0_lowered:
.L_overlay_start_1:
0x0: {  	(tag) =	ssettag $0x1  }
0x1: {  	s1 =	srdreg.scid  }
0x2: {  	s0 =	stileid.u32;
	s11 =	sand.u32 $0x1, s1  }
0x3: {  	s31 =	sshll.u32 s0, $0xA;
	s2 =	sshll.u32 s11, $0x9  }
0x4: {  	s10 =	rddreg [dreg:$0x0];
	s12 =	sor.u32 s2, s31  }
0x5: {  	s1 =	rddreg [dreg:$0x1];
	s2 =	simm.s32 $0x0;
	s3 =	sshrl.u32 s12, $0x3  }
0x6: {  	[smem:$0x7FF] =	sst s2;
	s3 =	sadd.s32 s3, s10  }
0x7: {  	_ =	strace $0x8000004A;
	s4 =	sadd.s32 $0x6AEA00, s3;
	s3 =	simm.s32 $0x3  }
0x8: {  	[tilespmem:s2], [sflag:$0x3] =	stream.linear.gather [hbm4b:s4+s2], $0x200, $0x38;
	[tilespmem:$0x10200] =	vst v63  }
0x9: {  	_ =	swait.ge [sflag:s3], $0x200  }
0xa: {  	s6 =	simm.s32 $0x100;
	[sflag:s3] =	ssyncset.done $0x0  }
0xb: {  	s7 =	simm.s32 $0x200;
	s5 =	sadd.s32 $0x6AF200, s10;
	[sflag:s3] =	ssyncadd.s32 $0xFFFFFE00  }
0xc: {  	[tilespmem:s7], [sflag:$0x1] =	stream.indirect.gather [hbm4b:s5+s6], $0x80, s2, s6, $0xb8;
	[tilespmem:$0x10200] =	vst v63  }
0xd: {  	s8 =	simm.s32 $0x8200;
	s9 =	simm.s32 $0x1  }
0xe: {  	[tilespmem:s8], [sflag:$0x2] =	stream.indirect.gather [hbm4b:s5+s6], $0x80, s6, s6, $0xb8;
	[tilespmem:$0x10200] =	vst v63  }
0xf: {  	s12 =	sshll.u32 s12, $0x4;
	_ =	swait.ge [sflag:s9], $0x8000  }
0x10: {  	s12 =	sadd.s32 s12, s10;
	[sflag:s9] =	ssyncset.done $0x0  }
0x11: {  	s13 =	ssub.s32 $0x2, s11;
	s10 =	sadd.s32 $0xA87200, s12;
	[sflag:s9] =	ssyncadd.s32 $0xFFFF8000  }
0x12: {  	[hbm4b:s10+s2] =	stream.linear.scatter [tilespmem:s7], [sflag:$0x3], $0x8000, $0x38;
	[tilespmem:$0x10200] =	vst v63  }
0x13: {  	s14 =	sshrl.u32 s13, $0x1;
	_ =	swait.ge [sflag:s3], $0x8000  }
0x14: {  	s13 =	ssub.s32 s13, s14;
	[sflag:s3] =	ssyncset.done $0x0  }
0x15: {  	s11 =	simm.s32 $0x2;
	s13 =	smax.u32 s13, $0x1;
	[sflag:s3] =	ssyncadd.s32 $0xFFFF8000  }
0x16: {  	p0 =	sne.s32 s13, $0x1;
	_ =	swait.ge [sflag:s11], $0x8000  }
.Ltmp0:
0x17: {  	[sflag:s11] =	ssyncset.done $0x0;
	(pc) =	sbr.rel @!p0 .LBB2_2-.Ltmp0, $4  }
0x18: {  	s12 =	sadd.s32 $0xA88200, s12;
	[sflag:s11] =	ssyncadd.s32 $0xFFFF8000  }
0x19: {  	[hbm4b:s12+s2] =	stream.linear.scatter [tilespmem:s8], [sflag:$0x3], $0x8000, $0x38;
	[tilespmem:$0x10200] =	vst v63  }
0x1a: {  	_ =	swait.ge [sflag:s3], $0x8000  }
0x1b: {  	s13 =	sadd.s32 $0xFFFFFFFF, s13;
	[sflag:s3] =	ssyncset.done $0x0  }
.LBB2_1:
0x1c: {  	p0 =	sne.s32 s13, $0x1;
	s13 =	sadd.s32 $0xFFFFFFFF, s13;
	[sflag:s3] =	ssyncadd.s32 $0xFFFF8000  }
0x1d: {  	[tilespmem:s2], [sflag:$0x3] =	stream.linear.gather [hbm4b:s4+s2], $0x200, $0x38;
	[tilespmem:$0x10200] =	vst v63  }
0x1e: {  	_ =	swait.ge [sflag:s3], $0x200  }
0x1f: {  	[sflag:s3] =	ssyncset.done $0x0  }
0x20: {  	[sflag:s3] =	ssyncadd.s32 $0xFFFFFE00  }
0x21: {  	[tilespmem:s7], [sflag:$0x1] =	stream.indirect.gather [hbm4b:s5+s6], $0x80, s2, s6, $0xb8;
	[tilespmem:$0x10200] =	vst v63  }
0x22: {  	_ = 	snop  }
0x23: {  	[tilespmem:s8], [sflag:$0x2] =	stream.indirect.gather [hbm4b:s5+s6], $0x80, s6, s6, $0xb8;
	[tilespmem:$0x10200] =	vst v63  }
0x24: {  	_ =	swait.ge [sflag:s9], $0x8000  }
0x25: {  	[sflag:s9] =	ssyncset.done $0x0  }
0x26: {  	[sflag:s9] =	ssyncadd.s32 $0xFFFF8000  }
0x27: {  	[hbm4b:s10+s2] =	stream.linear.scatter [tilespmem:s7], [sflag:$0x3], $0x8000, $0x38;
	[tilespmem:$0x10200] =	vst v63  }
0x28: {  	_ =	swait.ge [sflag:s3], $0x8000  }
0x29: {  	[sflag:s3] =	ssyncset.done $0x0  }
0x2a: {  	[sflag:s3] =	ssyncadd.s32 $0xFFFF8000  }
0x2b: {  	_ =	swait.ge [sflag:s11], $0x8000  }
.Ltmp1:
0x2c: {  	[sflag:s11] =	ssyncset.done $0x0;
	(pc) =	sbr.rel @p0 .LBB2_1-.Ltmp1, $4  }
0x2d: {  	[sflag:s11] =	ssyncadd.s32 $0xFFFF8000  }
0x2e: {  	[hbm4b:s12+s2] =	stream.linear.scatter [tilespmem:s8], [sflag:$0x3], $0x8000, $0x38;
	[tilespmem:$0x10200] =	vst v63  }
0x2f: {  	_ =	swait.ge [sflag:s3], $0x8000  }
0x30: {  	[sflag:s3] =	ssyncset.done $0x0  }
.LBB2_2:
0x31: {  	[sflag:s3] =	ssyncadd.s32 $0xFFFF8000  }
0x32: {  	_ =	sfence.sel $0x180000  }
0x33: {  	[bflag:$0x0] =	sbarrier.arrive $0xFFFF  }
0x34: {  	p0 =	sne.s32 s0, $0x0;
	_ =	strace $0x9000004A  }
0x35: {  	s0 =	sadd.s32 @!p0 $0x100000, s1;
	[bflag:$0x2] =	sbarrier.arrive $0xFFFF  }
0x36: {  	[sflag:s0] =	ssyncadd.tile.s32 @!p0 $0x1;
	_ =	shalt  }
.Lfunc_end2:
_tile_overlayer_lowered:
.L_overlay_start_2:
0x37: {  	(tag) =	ssettag $0x2  }
0x38: {  	s0 =	rddreg [dreg:$0x0];
	s2 =	stileid.u32  }
0x39: {  	s1 =	rddreg [dreg:$0x1];
	p0 =	sne.s32 s2, $0x0  }
0x3a: {  	s3 =	rddreg [dreg:$0x2];
	[bflag:$0x3] =	sbarrier.arrive $0xFFFF;
	s2 =	simm.s32 @!p0 $0x1C03  }
0x3b: {  	[timem:s3], [sflag:s2] =	dma.local @!p0 [hbm:s0], s1  }
0x3c: {  	s0 =	simm.s32 @!p0 $0x3  }
0x3d: {  	_ =	swait.ge @!p0 [sflag:s0], s1  }
0x3e: {  	s1 =	ssub.s32 @!p0 $0x0, s1;
	[sflag:s0] =	ssyncset.done @!p0 $0x0  }
0x3f: {  	[sflag:s0] =	ssyncadd.s32 @!p0 s1  }
0x40: {  	[bflag:$0x3] =	sbarrier.arrive $0xFFFF  }
0x41: {  	_ =	shalt  }

// kernel: kernel.7.cloned.1.call-start
scs
__scs_entry_jumppad:
0x0: {  	(pc) =	sbr.rel $0x88, $3  }
0x1: {  	(tag) =	ssettag $0x0;
	lr =	simm.s32 $0x1  }
0x2: {  	[smem:$0x3F9C] =	sst lr;
	_ =	strace $0xD0000000  }
0x3: {  	_ = 	snop  }
0x4: {  	_ = 	snop  }
0x5: {  	_ = 	snop  }
0x6: {  	_ = 	snop  }
0x7: {  	_ = 	snop  }
__scs_overlays_trampoline_lowered:
0x8: {  	[smem:$0x3FAB] =	sst s0  }
0x9: {  	[smem:$0x3FAC] =	sst s1  }
0xa: {  	[smem:$0x3FAD] =	sst s2  }
0xb: {  	[smem:$0x3FAE] =	sst s3  }
0xc: {  	[smem:$0x3FAF] =	sst s4  }
0xd: {  	[smem:$0x3FB0] =	sst s5  }
0xe: {  	[smem:$0x3FB1] =	sst s6  }
0xf: {  	[smem:$0x3FB2] =	sst s7  }
0x10: {  	[smem:$0x3FB3] =	sst s8  }
0x11: {  	[smem:$0x3FB4] =	sst s9;
	s0 =	simm.s32 @!p0 $0x0  }
0x12: {  	s1 =	sld [smem:$0x3F9A];
	s0 =	simm.s32 @p0 $0x1  }
0x13: {  	[smem:$0x3FB5] =	sst s0;
	s0 =	simm.s32 @!p1 $0x0  }
0x14: {  	s2 =	sld [smem:$0x3F99];
	s0 =	simm.s32 @p1 $0x1  }
0x15: {  	[smem:$0x3FB6] =	sst s0;
	s0 =	simm.s32 @!p2 $0x0  }
0x16: {  	s3 =	sld [smem:$0x3FDB];
	s0 =	simm.s32 @p2 $0x1  }
0x17: {  	s4 =	simm.s32 $0x1BF5;
	[smem:$0x3FB8] =	sst s0  }
0x18: {  	s0 =	sld [smem:$0x3F9B];
	_ =	swait.ge [sflag:s4], $0x0  }
0x19: {  	s7 =	sld [smem:$0x3F9C]  }
0x1a: {  	s8 =	sadd.s32 $0xFFFFE003, lr  }
0x1b: {  	s9 =	sadd.s32 $0xFFFFFEF7, lr;
	s5 =	simm.s32 $0xFFFFFFFF;
	p2 =	slt.u32 s8, $0xFFFFF086  }
0x1c: {  	p1 =	slt.u32 s9, $0xF7A;
	s5 =	simm.s32 @!p2 $0x0  }
0x1d: {  	s5 =	simm.s32 @p1 $0x1;
	p0 =	seq.s32 s7, s2  }
0x1e: {  	s7 =	smul.u32 @!p0 $0xF7A, s2;
	p2 =	seq.s32 @!p0 s5, $0x0  }
0x1f: {  	s9 =	smul.u32 $0xF7A, s1;
	s8 =	simm.s32 @!p0 $0x1BF5;
	p2 =	por !p2, p0  }
0x20: {  	[sflag:s8] =	ssyncset.s32 @!p0 $0xFFFFF086;
	s6 =	sadd.s32 @!p0 s3, s7;
	s7 =	simm.s32 @!p0 $0x108  }
0x21: {  	s3 =	sadd.s32 s3, s9;
	s6 =	sadd.s32 @!p0 $0x88, s6;
	s7 =	simm.s32 @p2 $0x1082  }
0x22: {  	[simem:s7], [sflag:s8] =	dma.local @!p0 [hbm:s6], $0xF7A  }
0x23: {  	s9 =	sor.u32 $0xD0000000, s2;
	s6 =	simm.s32 $0x108;
	_ =	swait.ge @!p0 [sflag:s8], $0x0  }
0x24: {  	s3 =	sadd.s32 $0x88, s3;
	s6 =	simm.s32 @!p1 $0x1082;
	[sflag:s4] =	ssyncset.s32 $0xFFFFF086  }
0x25: {  	[simem:s6], [sflag:s4] =	dma.local [hbm:s3], $0xF7A  }
0x26: {  	[smem:$0x3F9C] =	sst s1;
	(tag) =	ssettag s2;
	_ =	strace s9  }
0x27: {  	s1 =	sld [smem:$0x3FAC]  }
0x28: {  	s2 =	sld [smem:$0x3FAD]  }
0x29: {  	s4 =	sld [smem:$0x3FAF]  }
0x2a: {  	p0 =	seq.s32 s5, $0x0;
	s5 =	sld [smem:$0x3FB0]  }
0x2b: {  	s6 =	sld [smem:$0x3FB1]  }
0x2c: {  	s7 =	sld [smem:$0x3FB2]  }
0x2d: {  	s3 =	simm.s32 $0x108;
	s8 =	sld [smem:$0x3FB3]  }
0x2e: {  	s3 =	simm.s32 @!p0 $0x1082;
	s9 =	sld [smem:$0x3FB4]  }
0x2f: {  	lr =	sadd.s32 s0, s3;
	s0 =	sld [smem:$0x3FAB]  }
0x30: {  	s3 =	sld [smem:$0x3FAE]  }
0x31: {  	[smem:$0x3FB7] =	sst s10  }
0x32: {  	s10 =	sld [smem:$0x3FB5];
	_ =	sdelay $0x3  }
0x33: {  	p0 =	seq.s32 s10, $0x1;
	s10 =	sld [smem:$0x3FB7];
	_ =	sdelay $0x3  }
0x34: {  	[smem:$0x3FB7] =	sst s10  }
0x35: {  	s10 =	sld [smem:$0x3FB6];
	_ =	sdelay $0x3  }
0x36: {  	p1 =	seq.s32 s10, $0x1;
	s10 =	sld [smem:$0x3FB7];
	_ =	sdelay $0x3  }
0x37: {  	[smem:$0x3FB7] =	sst s10  }
0x38: {  	s10 =	sld [smem:$0x3FB8]  }
0x39: {  	_ = 	snop;
	(pc) =	sbr.ind lr, $3  }
0x3a: {  	_ = 	snop  }
0x3b: {  	_ = 	snop  }
0x3c: {  	p2 =	seq.s32 s10, $0x1;
	s10 =	sld [smem:$0x3FB7]  }
0x3d: {  	_ =	shalt  }
0x3e: {  	_ =	shalt  }
0x3f: {  	_ =	shalt  }
0x40: {  	_ =	shalt  }
0x41: {  	_ =	shalt  }
0x42: {  	_ =	shalt  }
0x43: {  	_ =	shalt  }
0x44: {  	_ =	shalt  }
0x45: {  	_ =	shalt  }
0x46: {  	_ =	shalt  }
0x47: {  	_ =	shalt  }
0x48: {  	_ =	shalt  }
0x49: {  	_ =	shalt  }
0x4a: {  	_ =	shalt  }
0x4b: {  	_ =	shalt  }
0x4c: {  	_ =	shalt  }
0x4d: {  	_ =	shalt  }
0x4e: {  	_ =	shalt  }
0x4f: {  	_ =	shalt  }
0x50: {  	_ =	shalt  }
0x51: {  	_ =	shalt  }
0x52: {  	_ =	shalt  }
0x53: {  	_ =	shalt  }
0x54: {  	_ =	shalt  }
0x55: {  	_ =	shalt  }
0x56: {  	_ =	shalt  }
0x57: {  	_ =	shalt  }
0x58: {  	_ =	shalt  }
0x59: {  	_ =	shalt  }
0x5a: {  	_ =	shalt  }
0x5b: {  	_ =	shalt  }
0x5c: {  	_ =	shalt  }
0x5d: {  	_ =	shalt  }
0x5e: {  	_ =	shalt  }
0x5f: {  	_ =	shalt  }
0x60: {  	_ =	shalt  }
0x61: {  	_ =	shalt  }
0x62: {  	_ =	shalt  }
0x63: {  	_ =	shalt  }
0x64: {  	_ =	shalt  }
0x65: {  	_ =	shalt  }
0x66: {  	_ =	shalt  }
0x67: {  	_ =	shalt  }
0x68: {  	_ =	shalt  }
0x69: {  	_ =	shalt  }
0x6a: {  	_ =	shalt  }
0x6b: {  	_ =	shalt  }
0x6c: {  	_ =	shalt  }
0x6d: {  	_ =	shalt  }
0x6e: {  	_ =	shalt  }
0x6f: {  	_ =	shalt  }
0x70: {  	_ =	shalt  }
0x71: {  	_ =	shalt  }
0x72: {  	_ =	shalt  }
0x73: {  	_ =	shalt  }
0x74: {  	_ =	shalt  }
0x75: {  	_ =	shalt  }
0x76: {  	_ =	shalt  }
0x77: {  	_ =	shalt  }
0x78: {  	_ =	shalt  }
0x79: {  	_ =	shalt  }
0x7a: {  	_ =	shalt  }
0x7b: {  	_ =	shalt  }
0x7c: {  	_ =	shalt  }
0x7d: {  	_ =	shalt  }
0x7e: {  	_ =	shalt  }
0x7f: {  	_ =	shalt  }
0x80: {  	_ =	shalt  }
0x81: {  	_ =	shalt  }
0x82: {  	_ =	shalt  }
0x83: {  	_ =	shalt  }
0x84: {  	_ =	shalt  }
0x85: {  	_ =	shalt  }
0x86: {  	_ =	shalt  }
0x87: {  	_ =	shalt  }
.Lfunc_end0:
.L_simem_size_0:
called_computation_lowered:
.L_overlay_start_0:
0x88: {  	s2 =	sld [smem:$0x3FD9]  }
0x89: {  	s3 =	sld [smem:$0x3FFE];
	_ =	sdelay $0x1  }
0x8a: {  	s1 =	srdreg.scid  }
0x8b: {  	s0 =	sand.u32 $0x1, s1  }
0x8c: {  	s16 =	sshll.u32 s0, $0xA;
	s2 =	sadd.s32 s3, s2  }
0x8d: {  	s2 =	sadd.s32 s2, s16  }
0x8e: {  	[smem:$0x3FC3] =	sst s2  }
0x8f: {  	_ = 	snop  }
0x90: {  	(tm) =	ssettm $0x1  }
0x91: {  	s17 =	sld [smem:$0x3FFB];
	_ =	sdelay $0x3  }
0x92: {  	_ =	strace s17  }
0x93: {  	s2 =	sld [smem:$0x3FFC];
	_ =	sdelay $0x3  }
0x94: {  	_ =	strace s2  }
0x95: {  	s2 =	sld [smem:$0x3FFD];
	_ =	sdelay $0x3  }
0x96: {  	_ =	strace s2  }
0x97: {  	_ =	strace $0x8FFFFFFF  }
0x98: {  	s18 =	sld [smem:$0x3FDB];
	_ =	sdelay $0x1  }
0x99: {  	s19 =	simm.s32 $_scs_section_size  }
0x9a: {  	s4 =	simm.s32 $_size__tile_overlayer_lowered;
	s5 =	simm.s32 $_tile_overlayer_lowered  }
0x9b: {  	s22 =	simm.s32 $0x1BFF;
	s21 =	sshll.u32 s5, $0x1;
	s2 =	sadd.s32 s19, s18  }
0x9c: {  	s6 =	simm.s32 $0x0;
	s20 =	sshll.u32 s4, $0x1;
	s4 =	sadd.s32 s21, s2  }
0x9d: {  	[timem:s6], [sflag:s22] =	dma.local [hbm:s4], s20  }
0x9e: {  	_ =	swait.ge [sflag:s22], s20  }
0x9f: {  	s3 =	ssub.s32 $0x0, s20;
	[sflag:s22] =	ssyncset.done $0x0  }
0xa0: {  	[sflag:s22] =	ssyncadd.s32 s3;
	_ =	sdelay $0x1  }
0xa1: {  	s23 =	simm.s32 $0x1B8B  }
0xa2: {  	_ =	swait.ge [sflag:s23], $0x1  }
0xa3: {  	[sflag:s23] =	ssyncset.done $0x0  }
0xa4: {  	s25 =	simm.s32 $0x1B8E;
	s24 =	sld [smem:$0x3FFE];
	[sflag:s23] =	ssyncadd.s32 $0xFFFFFFFF  }
0xa5: {  	s26 =	simm.s32 $execute0_lowered;
	[smem:$0x3FD2] =	sst s25  }
0xa6: {  	s4 =	sshll.u32 s26, $0x1;
	_ =	strace $0x80000046;
	[dreg:$0x1] =	wrdreg $0xFFFFFFFF  }
0xa7: {  	s28 =	simm.s32 $_size_execute0_lowered;
	s2 =	sadd.s32 s2, s4;
	[dreg:$0x0] =	wrdreg $0x0  }
0xa8: {  	s4 =	sshll.u32 s28, $0x1;
	[dreg:$0x2] =	wrdreg s2  }
0xa9: {  	[dreg:$0x3] =	wrdreg s4  }
0xaa: {  	[dreg:$0x4] =	wrdreg $0xC0  }
0xab: {  	_ =	task [dreg:s6], $0x5FFFF  }
0xac: {  	[dreg:$0x1] =	wrdreg $0xFFFFFFFF  }
0xad: {  	[dreg:$0x0] =	wrdreg $0x60  }
0xae: {  	[dreg:$0x2] =	wrdreg s24  }
0xaf: {  	[dreg:$0x3] =	wrdreg $0x9  }
0xb0: {  	_ =	task.clear_ibuf [dreg:s6], $0x4FFFF;
	_ =	strace $0x90000046  }
0xb1: {  	s29 =	simm.s32 $0x9;
	_ =	strace $0x80000048  }
0xb2: {  	_ =	swait.ge [sflag:s29], $0x1  }
0xb3: {  	[sflag:s29] =	ssyncadd.s32 $0xFFFFFFFF  }
0xb4: {  	_ =	strace $0x90000048  }
0xb5: {  	_ =	sfence  }
0xb6: {  	s30 =	sld [smem:$0x0];
	_ =	sdelay $0x2  }
0xb7: {  	s31 =	sshll.u32 s1, $0xD;
	s1 =	sshrl.u32 s1, $0x2  }
0xb8: {  	s3 =	sand.u32 $0x4000, s31;
	s1 =	sadd.s32 s1, s30  }
0xb9: {  	s0 =	sor.u32 s3, s0;
	s1 =	sshll.u32 s1, $0x11  }
0xba: {  	s0 =	sor.u32 s1, s0  }
0xbb: {  	s0 =	sadd.s32 $0x8F2B, s0  }
0xbc: {  	[sflag:s0] =	ssyncadd.remote.s32 $0x1  }
0xbd: {  	_ =	sfence.sel $0xFFFF  }
0xbe: {  	[dreg:$0x0] =	wrdreg $0xFFFFFFFF;
	(pc) =	sbr.abs _section_cstart, $3  }
0xbf: {  	[dreg:$0x1] =	wrdreg $0xFFFFFFFF  }
0xc0: {  	_ =	task.clear_ibuf [dreg:s6], $0x2FFFF;
	_ =	strace $0x9FFFFFFF  }
0xc1: {  	(tm) =	ssettm $0x7FFFFFFF  }
tec
execute0_lowered:
.L_overlay_start_1:
0x0: {  	(tag) =	ssettag $0x1  }
0x1: {  	s0 =	srdreg.scid;
	s1 =	stileid.u32  }
0x2: {  	s0 =	sand.u32 $0x1, s0;
	s1 =	sshll.u32 s1, $0x1  }
0x3: {  	s1 =	sor.u32 s0, s1  }
0x4: {  	s3 =	rddreg [dreg:$0x0];
	s4 =	smul.u32 $0x2C0, s1;
	s1 =	sshll.u32 s1, $0xD  }
0x5: {  	s2 =	simm.s32 $0x0;
	s1 =	sadd.s32 s1, s3  }
0x6: {  	[smem:$0x7FF] =	sst s2;
	s6 =	sadd.s32 $0x3EEA00, s1  }
0x7: {  	_ =	strace $0x80000047;
	s7 =	sadd.s32 $0x3EFA00, s1;
	[dreg:$0x3] =	wrdreg s6  }
0x8: {  	s8 =	sadd.s32 $0x42EA00, s1;
	[dreg:$0x4] =	wrdreg s7  }
0x9: {  	s9 =	sadd.s32 $0x42FA00, s1;
	[dreg:$0x5] =	wrdreg s8  }
0xa: {  	s10 =	sadd.s32 $0x46EA00, s1;
	[dreg:$0x6] =	wrdreg s9  }
0xb: {  	s11 =	sadd.s32 $0x46FA00, s1;
	[dreg:$0x7] =	wrdreg s10  }
0xc: {  	s12 =	sadd.s32 $0x4AEA00, s1;
	[dreg:$0x8] =	wrdreg s11  }
0xd: {  	s13 =	sadd.s32 $0x4AFA00, s1;
	[dreg:$0x9] =	wrdreg s12  }
0xe: {  	s14 =	sadd.s32 $0x4EEA00, s1;
	[dreg:$0xa] =	wrdreg s13  }
0xf: {  	s15 =	sadd.s32 $0x4EFA00, s1;
	[dreg:$0xb] =	wrdreg s14  }
0x10: {  	s31 =	simm.s32 $0x200;
	s16 =	sadd.s32 $0x52EA00, s1;
	[dreg:$0xc] =	wrdreg s15  }
0x11: {  	s30 =	simm.s32 $0x300;
	s17 =	sadd.s32 $0x52FA00, s1;
	[dreg:$0xd] =	wrdreg s16  }
0x12: {  	s29 =	simm.s32 $0x400;
	s18 =	sadd.s32 $0x56EA00, s1;
	[dreg:$0xe] =	wrdreg s17  }
0x13: {  	s28 =	simm.s32 $0x500;
	s19 =	sadd.s32 $0x56FA00, s1;
	[dreg:$0xf] =	wrdreg s18  }
0x14: {  	p0 =	por $0x0, $0x0;
	s20 =	sadd.s32 $0x5AEA00, s1;
	[dreg:$0x10] =	wrdreg s19  }
0x15: {  	s0 =	ssub.s32 $0x2, s0;
	s21 =	sadd.s32 $0x5AFA00, s1;
	[dreg:$0x11] =	wrdreg s20  }
0x16: {  	s5 =	sshrl.u32 s0, $0x1;
	s22 =	sadd.s32 $0x5EEA00, s1;
	[dreg:$0x12] =	wrdreg s21  }
0x17: {  	s0 =	ssub.s32 s0, s5;
	s23 =	sadd.s32 $0x5EFA00, s1;
	[dreg:$0x13] =	wrdreg s22  }
0x18: {  	s4 =	sadd.s32 s4, s3;
	s24 =	sadd.s32 $0x62EA00, s1;
	[dreg:$0x14] =	wrdreg s23  }
0x19: {  	s3 =	sadd.s32 $0x16A00, s3;
	s25 =	sadd.s32 $0x62FA00, s1;
	[dreg:$0x15] =	wrdreg s24  }
0x1a: {  	s26 =	sadd.s32 $0x66EA00, s1;
	s5 =	sadd.s32 $0x66FA00, s1;
	[dreg:$0x16] =	wrdreg s25  }
0x1b: {  	s0 =	smax.u32 s0, $0x1;
	s4 =	sadd.s32 $0x11200, s4;
	[dreg:$0x17] =	wrdreg s26  }
0x1c: {  	s10 =	simm.s32 $0x100;
	s8 =	simm.s32 $0x1600;
	s6 =	simm.s32 $0x9600  }
0x1d: {  	s9 =	simm.s32 $0x1;
	s7 =	simm.s32 $0x2;
	s26 =	simm.s32 $0x600  }
0x1e: {  	s25 =	simm.s32 $0x700;
	s24 =	simm.s32 $0x800;
	s23 =	simm.s32 $0x900  }
0x1f: {  	s22 =	simm.s32 $0xA00;
	s21 =	simm.s32 $0xB00;
	p1 =	sne.s32 s0, $0x1  }
.Ltmp0:
0x20: {  	s20 =	simm.s32 $0xC00;
	s19 =	simm.s32 $0xD00;
	(pc) =	sbr.rel @!p1 .LBB2_3-.Ltmp0, $4  }
0x21: {  	s18 =	simm.s32 $0xE00;
	s17 =	simm.s32 $0xF00;
	s1 =	sadd.s32 $0xFFFFFFFF, s0  }
0x22: {  	s16 =	simm.s32 $0x1000;
	s15 =	simm.s32 $0x1100;
	s14 =	simm.s32 $0x1200  }
0x23: {  	s13 =	simm.s32 $0x1300;
	s12 =	simm.s32 $0x1400;
	[dreg:$0x2] =	wrdreg s4  }
0x24: {  	s11 =	simm.s32 $0x1500;
	s4 =	simm.s32 $0x3;
	s0 =	rddreg [dreg:$0x2]  }
0x25: {  	[tilespmem:s2], [sflag:$0x3] =	stream.linear.gather [hbm4b:s0+s2], $0x1600, $0x38;
	[tilespmem:$0x11600] =	vst v63  }
0x26: {  	_ =	swait.ge [sflag:s4], $0x1600  }
0x27: {  	[sflag:s4] =	ssyncset.done $0x0  }
0x28: {  	[sflag:s4] =	ssyncadd.s32 $0xFFFFEA00  }
0x29: {  	[tilespmem:s8], [sflag:$0x1] =	stream.indirect.gather [hbm4b:s3+s10], $0x80, s2, s10, $0xb8;
	[tilespmem:$0x11600] =	vst v63  }
0x2a: {  	_ = 	snop  }
0x2b: {  	[tilespmem:s6], [sflag:$0x2] =	stream.indirect.gather [hbm4b:s3+s10], $0x80, s10, s10, $0xb8;
	[tilespmem:$0x11600] =	vst v63  }
0x2c: {  	_ =	swait.ge [sflag:s9], $0x8000  }
0x2d: {  	[sflag:s9] =	ssyncset.done $0x0  }
0x2e: {  	s0 =	rddreg [dreg:$0x3];
	[sflag:s9] =	ssyncadd.s32 $0xFFFF8000  }
0x2f: {  	[hbm4b:s0+s2] =	stream.linear.scatter [tilespmem:s8], [sflag:$0x3], $0x8000, $0x38;
	[tilespmem:$0x11600] =	vst v63  }
0x30: {  	_ =	swait.ge [sflag:s4], $0x8000  }
0x31: {  	[sflag:s4] =	ssyncset.done $0x0  }
0x32: {  	[sflag:s4] =	ssyncadd.s32 $0xFFFF8000  }
0x33: {  	[tilespmem:s8], [sflag:$0x1] =	stream.indirect.gather [hbm4b:s3+s10], $0x80, s31, s10, $0xb8;
	[tilespmem:$0x11600] =	vst v63  }
0x34: {  	_ =	swait.ge [sflag:s7], $0x8000  }
0x35: {  	[sflag:s7] =	ssyncset.done $0x0  }
0x36: {  	s0 =	rddreg [dreg:$0x4];
	[sflag:s7] =	ssyncadd.s32 $0xFFFF8000  }
0x37: {  	[hbm4b:s0+s2] =	stream.linear.scatter [tilespmem:s6], [sflag:$0x3], $0x8000, $0x38;
	[tilespmem:$0x11600] =	vst v63  }
0x38: {  	_ =	swait.ge [sflag:s4], $0x8000  }
0x39: {  	[sflag:s4] =	ssyncset.done $0x0  }
0x3a: {  	[sflag:s4] =	ssyncadd.s32 $0xFFFF8000  }
0x3b: {  	[tilespmem:s6], [sflag:$0x2] =	stream.indirect.gather [hbm4b:s3+s10], $0x80, s30, s10, $0xb8;
	[tilespmem:$0x11600] =	vst v63  }
0x3c: {  	_ =	swait.ge [sflag:s9], $0x8000  }
0x3d: {  	[sflag:s9] =	ssyncset.done $0x0  }
0x3e: {  	s0 =	rddreg [dreg:$0x5];
	[sflag:s9] =	ssyncadd.s32 $0xFFFF8000  }
0x3f: {  	[hbm4b:s0+s2] =	stream.linear.scatter [tilespmem:s8], [sflag:$0x3], $0x8000, $0x38;
	[tilespmem:$0x11600] =	vst v63  }
0x40: {  	_ =	swait.ge [sflag:s4], $0x8000  }
0x41: {  	[sflag:s4] =	ssyncset.done $0x0  }
0x42: {  	[sflag:s4] =	ssyncadd.s32 $0xFFFF8000  }
0x43: {  	[tilespmem:s8], [sflag:$0x1] =	stream.indirect.gather [hbm4b:s3+s10], $0x80, s29, s10, $0xb8;
	[tilespmem:$0x11600] =	vst v63  }
0x44: {  	_ =	swait.ge [sflag:s7], $0x8000  }
0x45: {  	[sflag:s7] =	ssyncset.done $0x0  }
0x46: {  	s0 =	rddreg [dreg:$0x6];
	[sflag:s7] =	ssyncadd.s32 $0xFFFF8000  }
0x47: {  	[hbm4b:s0+s2] =	stream.linear.scatter [tilespmem:s6], [sflag:$0x3], $0x8000, $0x38;
	[tilespmem:$0x11600] =	vst v63  }
0x48: {  	_ =	swait.ge [sflag:s4], $0x8000  }
0x49: {  	[sflag:s4] =	ssyncset.done $0x0  }
0x4a: {  	[sflag:s4] =	ssyncadd.s32 $0xFFFF8000  }
0x4b: {  	[tilespmem:s6], [sflag:$0x2] =	stream.indirect.gather [hbm4b:s3+s10], $0x80, s28, s10, $0xb8;
	[tilespmem:$0x11600] =	vst v63  }
0x4c: {  	_ =	swait.ge [sflag:s9], $0x8000  }
0x4d: {  	[sflag:s9] =	ssyncset.done $0x0  }
0x4e: {  	s0 =	rddreg [dreg:$0x7];
	[sflag:s9] =	ssyncadd.s32 $0xFFFF8000  }
0x4f: {  	[hbm4b:s0+s2] =	stream.linear.scatter [tilespmem:s8], [sflag:$0x3], $0x8000, $0x38;
	[tilespmem:$0x11600] =	vst v63  }
0x50: {  	_ =	swait.ge [sflag:s4], $0x8000  }
0x51: {  	[sflag:s4] =	ssyncset.done $0x0  }
0x52: {  	[sflag:s4] =	ssyncadd.s32 $0xFFFF8000  }
0x53: {  	[tilespmem:s8], [sflag:$0x1] =	stream.indirect.gather [hbm4b:s3+s10], $0x80, s26, s10, $0xb8;
	[tilespmem:$0x11600] =	vst v63  }
0x54: {  	_ =	swait.ge [sflag:s7], $0x8000  }
0x55: {  	[sflag:s7] =	ssyncset.done $0x0  }
0x56: {  	s0 =	rddreg [dreg:$0x8];
	[sflag:s7] =	ssyncadd.s32 $0xFFFF8000  }
0x57: {  	[hbm4b:s0+s2] =	stream.linear.scatter [tilespmem:s6], [sflag:$0x3], $0x8000, $0x38;
	[tilespmem:$0x11600] =	vst v63  }
0x58: {  	_ =	swait.ge [sflag:s4], $0x8000  }
0x59: {  	[sflag:s4] =	ssyncset.done $0x0  }
0x5a: {  	[sflag:s4] =	ssyncadd.s32 $0xFFFF8000  }
0x5b: {  	[tilespmem:s6], [sflag:$0x2] =	stream.indirect.gather [hbm4b:s3+s10], $0x80, s25, s10, $0xb8;
	[tilespmem:$0x11600] =	vst v63  }
0x5c: {  	_ =	swait.ge [sflag:s9], $0x8000  }
0x5d: {  	[sflag:s9] =	ssyncset.done $0x0  }
0x5e: {  	s0 =	rddreg [dreg:$0x9];
	[sflag:s9] =	ssyncadd.s32 $0xFFFF8000  }
0x5f: {  	[hbm4b:s0+s2] =	stream.linear.scatter [tilespmem:s8], [sflag:$0x3], $0x8000, $0x38;
	[tilespmem:$0x11600] =	vst v63  }
0x60: {  	_ =	swait.ge [sflag:s4], $0x8000  }
0x61: {  	[sflag:s4] =	ssyncset.done $0x0  }
0x62: {  	[sflag:s4] =	ssyncadd.s32 $0xFFFF8000  }
0x63: {  	[tilespmem:s8], [sflag:$0x1] =	stream.indirect.gather [hbm4b:s3+s10], $0x80, s24, s10, $0xb8;
	[tilespmem:$0x11600] =	vst v63  }
0x64: {  	_ =	swait.ge [sflag:s7], $0x8000  }
0x65: {  	[sflag:s7] =	ssyncset.done $0x0  }
0x66: {  	s0 =	rddreg [dreg:$0xa];
	[sflag:s7] =	ssyncadd.s32 $0xFFFF8000  }
0x67: {  	[hbm4b:s0+s2] =	stream.linear.scatter [tilespmem:s6], [sflag:$0x3], $0x8000, $0x38;
	[tilespmem:$0x11600] =	vst v63  }
0x68: {  	_ =	swait.ge [sflag:s4], $0x8000  }
0x69: {  	[sflag:s4] =	ssyncset.done $0x0  }
0x6a: {  	[sflag:s4] =	ssyncadd.s32 $0xFFFF8000  }
0x6b: {  	[tilespmem:s6], [sflag:$0x2] =	stream.indirect.gather [hbm4b:s3+s10], $0x80, s23, s10, $0xb8;
	[tilespmem:$0x11600] =	vst v63  }
0x6c: {  	_ =	swait.ge [sflag:s9], $0x8000  }
0x6d: {  	[sflag:s9] =	ssyncset.done $0x0  }
0x6e: {  	s0 =	rddreg [dreg:$0xb];
	[sflag:s9] =	ssyncadd.s32 $0xFFFF8000  }
0x6f: {  	[hbm4b:s0+s2] =	stream.linear.scatter [tilespmem:s8], [sflag:$0x3], $0x8000, $0x38;
	[tilespmem:$0x11600] =	vst v63  }
0x70: {  	_ =	swait.ge [sflag:s4], $0x8000  }
0x71: {  	[sflag:s4] =	ssyncset.done $0x0  }
0x72: {  	[sflag:s4] =	ssyncadd.s32 $0xFFFF8000  }
0x73: {  	[tilespmem:s8], [sflag:$0x1] =	stream.indirect.gather [hbm4b:s3+s10], $0x80, s22, s10, $0xb8;
	[tilespmem:$0x11600] =	vst v63  }
0x74: {  	_ =	swait.ge [sflag:s7], $0x8000  }
0x75: {  	[sflag:s7] =	ssyncset.done $0x0  }
0x76: {  	s0 =	rddreg [dreg:$0xc];
	[sflag:s7] =	ssyncadd.s32 $0xFFFF8000  }
0x77: {  	[hbm4b:s0+s2] =	stream.linear.scatter [tilespmem:s6], [sflag:$0x3], $0x8000, $0x38;
	[tilespmem:$0x11600] =	vst v63  }
0x78: {  	_ =	swait.ge [sflag:s4], $0x8000  }
0x79: {  	[sflag:s4] =	ssyncset.done $0x0  }
0x7a: {  	[sflag:s4] =	ssyncadd.s32 $0xFFFF8000  }
0x7b: {  	[tilespmem:s6], [sflag:$0x2] =	stream.indirect.gather [hbm4b:s3+s10], $0x80, s21, s10, $0xb8;
	[tilespmem:$0x11600] =	vst v63  }
0x7c: {  	_ =	swait.ge [sflag:s9], $0x8000  }
0x7d: {  	[sflag:s9] =	ssyncset.done $0x0  }
0x7e: {  	s0 =	rddreg [dreg:$0xd];
	[sflag:s9] =	ssyncadd.s32 $0xFFFF8000  }
0x7f: {  	[hbm4b:s0+s2] =	stream.linear.scatter [tilespmem:s8], [sflag:$0x3], $0x8000, $0x38;
	[tilespmem:$0x11600] =	vst v63  }
0x80: {  	_ =	swait.ge [sflag:s4], $0x8000  }
0x81: {  	[sflag:s4] =	ssyncset.done $0x0  }
0x82: {  	[sflag:s4] =	ssyncadd.s32 $0xFFFF8000  }
0x83: {  	[tilespmem:s8], [sflag:$0x1] =	stream.indirect.gather [hbm4b:s3+s10], $0x80, s20, s10, $0xb8;
	[tilespmem:$0x11600] =	vst v63  }
0x84: {  	_ =	swait.ge [sflag:s7], $0x8000  }
0x85: {  	[sflag:s7] =	ssyncset.done $0x0  }
0x86: {  	s0 =	rddreg [dreg:$0xe];
	[sflag:s7] =	ssyncadd.s32 $0xFFFF8000  }
0x87: {  	[hbm4b:s0+s2] =	stream.linear.scatter [tilespmem:s6], [sflag:$0x3], $0x8000, $0x38;
	[tilespmem:$0x11600] =	vst v63  }
0x88: {  	_ =	swait.ge [sflag:s4], $0x8000  }
0x89: {  	[sflag:s4] =	ssyncset.done $0x0  }
0x8a: {  	[sflag:s4] =	ssyncadd.s32 $0xFFFF8000  }
0x8b: {  	[tilespmem:s6], [sflag:$0x2] =	stream.indirect.gather [hbm4b:s3+s10], $0x80, s19, s10, $0xb8;
	[tilespmem:$0x11600] =	vst v63  }
0x8c: {  	_ =	swait.ge [sflag:s9], $0x8000  }
0x8d: {  	[sflag:s9] =	ssyncset.done $0x0  }
0x8e: {  	s0 =	rddreg [dreg:$0xf];
	[sflag:s9] =	ssyncadd.s32 $0xFFFF8000  }
0x8f: {  	[hbm4b:s0+s2] =	stream.linear.scatter [tilespmem:s8], [sflag:$0x3], $0x8000, $0x38;
	[tilespmem:$0x11600] =	vst v63  }
0x90: {  	_ =	swait.ge [sflag:s4], $0x8000  }
0x91: {  	[sflag:s4] =	ssyncset.done $0x0  }
0x92: {  	[sflag:s4] =	ssyncadd.s32 $0xFFFF8000  }
0x93: {  	[tilespmem:s8], [sflag:$0x1] =	stream.indirect.gather [hbm4b:s3+s10], $0x80, s18, s10, $0xb8;
	[tilespmem:$0x11600] =	vst v63  }
0x94: {  	_ =	swait.ge [sflag:s7], $0x8000  }
0x95: {  	[sflag:s7] =	ssyncset.done $0x0  }
0x96: {  	s0 =	rddreg [dreg:$0x10];
	[sflag:s7] =	ssyncadd.s32 $0xFFFF8000  }
0x97: {  	[hbm4b:s0+s2] =	stream.linear.scatter [tilespmem:s6], [sflag:$0x3], $0x8000, $0x38;
	[tilespmem:$0x11600] =	vst v63  }
0x98: {  	_ =	swait.ge [sflag:s4], $0x8000  }
0x99: {  	[sflag:s4] =	ssyncset.done $0x0  }
0x9a: {  	[sflag:s4] =	ssyncadd.s32 $0xFFFF8000  }
0x9b: {  	[tilespmem:s6], [sflag:$0x2] =	stream.indirect.gather [hbm4b:s3+s10], $0x80, s17, s10, $0xb8;
	[tilespmem:$0x11600] =	vst v63  }
0x9c: {  	_ =	swait.ge [sflag:s9], $0x8000  }
0x9d: {  	[sflag:s9] =	ssyncset.done $0x0  }
0x9e: {  	s0 =	rddreg [dreg:$0x11];
	[sflag:s9] =	ssyncadd.s32 $0xFFFF8000  }
0x9f: {  	[hbm4b:s0+s2] =	stream.linear.scatter [tilespmem:s8], [sflag:$0x3], $0x8000, $0x38;
	[tilespmem:$0x11600] =	vst v63  }
0xa0: {  	_ =	swait.ge [sflag:s4], $0x8000  }
0xa1: {  	[sflag:s4] =	ssyncset.done $0x0  }
0xa2: {  	[sflag:s4] =	ssyncadd.s32 $0xFFFF8000  }
0xa3: {  	[tilespmem:s8], [sflag:$0x1] =	stream.indirect.gather [hbm4b:s3+s10], $0x80, s16, s10, $0xb8;
	[tilespmem:$0x11600] =	vst v63  }
0xa4: {  	_ =	swait.ge [sflag:s7], $0x8000  }
0xa5: {  	[sflag:s7] =	ssyncset.done $0x0  }
0xa6: {  	s0 =	rddreg [dreg:$0x12];
	[sflag:s7] =	ssyncadd.s32 $0xFFFF8000  }
0xa7: {  	[hbm4b:s0+s2] =	stream.linear.scatter [tilespmem:s6], [sflag:$0x3], $0x8000, $0x38;
	[tilespmem:$0x11600] =	vst v63  }
0xa8: {  	_ =	swait.ge [sflag:s4], $0x8000  }
0xa9: {  	[sflag:s4] =	ssyncset.done $0x0  }
0xaa: {  	[sflag:s4] =	ssyncadd.s32 $0xFFFF8000  }
0xab: {  	[tilespmem:s6], [sflag:$0x2] =	stream.indirect.gather [hbm4b:s3+s10], $0x80, s15, s10, $0xb8;
	[tilespmem:$0x11600] =	vst v63  }
0xac: {  	_ =	swait.ge [sflag:s9], $0x8000  }
0xad: {  	[sflag:s9] =	ssyncset.done $0x0  }
0xae: {  	s0 =	rddreg [dreg:$0x13];
	[sflag:s9] =	ssyncadd.s32 $0xFFFF8000  }
0xaf: {  	[hbm4b:s0+s2] =	stream.linear.scatter [tilespmem:s8], [sflag:$0x3], $0x8000, $0x38;
	[tilespmem:$0x11600] =	vst v63  }
0xb0: {  	_ =	swait.ge [sflag:s4], $0x8000  }
0xb1: {  	[sflag:s4] =	ssyncset.done $0x0  }
0xb2: {  	[sflag:s4] =	ssyncadd.s32 $0xFFFF8000  }
0xb3: {  	[tilespmem:s8], [sflag:$0x1] =	stream.indirect.gather [hbm4b:s3+s10], $0x80, s14, s10, $0xb8;
	[tilespmem:$0x11600] =	vst v63  }
0xb4: {  	_ =	swait.ge [sflag:s7], $0x8000  }
0xb5: {  	[sflag:s7] =	ssyncset.done $0x0  }
0xb6: {  	s0 =	rddreg [dreg:$0x14];
	[sflag:s7] =	ssyncadd.s32 $0xFFFF8000  }
0xb7: {  	[hbm4b:s0+s2] =	stream.linear.scatter [tilespmem:s6], [sflag:$0x3], $0x8000, $0x38;
	[tilespmem:$0x11600] =	vst v63  }
0xb8: {  	_ =	swait.ge [sflag:s4], $0x8000  }
0xb9: {  	[sflag:s4] =	ssyncset.done $0x0  }
0xba: {  	[sflag:s4] =	ssyncadd.s32 $0xFFFF8000  }
0xbb: {  	[tilespmem:s6], [sflag:$0x2] =	stream.indirect.gather [hbm4b:s3+s10], $0x80, s13, s10, $0xb8;
	[tilespmem:$0x11600] =	vst v63  }
0xbc: {  	_ =	swait.ge [sflag:s9], $0x8000  }
0xbd: {  	[sflag:s9] =	ssyncset.done $0x0  }
0xbe: {  	s0 =	rddreg [dreg:$0x15];
	[sflag:s9] =	ssyncadd.s32 $0xFFFF8000  }
0xbf: {  	[hbm4b:s0+s2] =	stream.linear.scatter [tilespmem:s8], [sflag:$0x3], $0x8000, $0x38;
	[tilespmem:$0x11600] =	vst v63  }
0xc0: {  	_ =	swait.ge [sflag:s4], $0x8000  }
0xc1: {  	[sflag:s4] =	ssyncset.done $0x0  }
0xc2: {  	[sflag:s4] =	ssyncadd.s32 $0xFFFF8000  }
0xc3: {  	[tilespmem:s8], [sflag:$0x1] =	stream.indirect.gather [hbm4b:s3+s10], $0x80, s12, s10, $0xb8;
	[tilespmem:$0x11600] =	vst v63  }
0xc4: {  	_ =	swait.ge [sflag:s7], $0x8000  }
0xc5: {  	[sflag:s7] =	ssyncset.done $0x0  }
0xc6: {  	s0 =	rddreg [dreg:$0x16];
	[sflag:s7] =	ssyncadd.s32 $0xFFFF8000  }
0xc7: {  	[hbm4b:s0+s2] =	stream.linear.scatter [tilespmem:s6], [sflag:$0x3], $0x8000, $0x38;
	[tilespmem:$0x11600] =	vst v63  }
0xc8: {  	_ =	swait.ge [sflag:s4], $0x8000  }
0xc9: {  	[sflag:s4] =	ssyncset.done $0x0  }
0xca: {  	[sflag:s4] =	ssyncadd.s32 $0xFFFF8000  }
0xcb: {  	[tilespmem:s6], [sflag:$0x2] =	stream.indirect.gather [hbm4b:s3+s10], $0x80, s11, s10, $0xb8;
	[tilespmem:$0x11600] =	vst v63  }
0xcc: {  	_ =	swait.ge [sflag:s9], $0x8000  }
0xcd: {  	[sflag:s9] =	ssyncset.done $0x0  }
0xce: {  	s0 =	rddreg [dreg:$0x17];
	[sflag:s9] =	ssyncadd.s32 $0xFFFF8000  }
0xcf: {  	[hbm4b:s0+s2] =	stream.linear.scatter [tilespmem:s8], [sflag:$0x3], $0x8000, $0x38;
	[tilespmem:$0x11600] =	vst v63  }
0xd0: {  	_ =	swait.ge [sflag:s4], $0x8000  }
0xd1: {  	[sflag:s4] =	ssyncset.done $0x0  }
0xd2: {  	[sflag:s4] =	ssyncadd.s32 $0xFFFF8000  }
0xd3: {  	p1 =	sne.s32 s1, $0x1;
	_ =	swait.ge [sflag:s7], $0x8000  }
.Ltmp1:
0xd4: {  	[sflag:s7] =	ssyncset.done $0x0;
	(pc) =	sbr.rel @!p1 .LBB2_3-.Ltmp1, $4  }
0xd5: {  	[sflag:s7] =	ssyncadd.s32 $0xFFFF8000  }
0xd6: {  	[hbm4b:s5+s2] =	stream.linear.scatter [tilespmem:s6], [sflag:$0x3], $0x8000, $0x38;
	[tilespmem:$0x11600] =	vst v63  }
0xd7: {  	s1 =	sadd.s32 $0xFFFFFFFF, s1;
	_ =	swait.ge [sflag:s4], $0x8000  }
0xd8: {  	p0 =	por $0x1, $0x1;
	s0 =	rddreg [dreg:$0x2];
	[sflag:s4] =	ssyncset.done $0x0  }
.LBB2_2:
0xd9: {  	[sflag:s4] =	ssyncadd.s32 $0xFFFF8000  }
0xda: {  	[tilespmem:s2], [sflag:$0x3] =	stream.linear.gather [hbm4b:s0+s2], $0x1600, $0x38;
	[tilespmem:$0x11600] =	vst v63  }
0xdb: {  	_ =	swait.ge [sflag:s4], $0x1600  }
0xdc: {  	[sflag:s4] =	ssyncset.done $0x0  }
0xdd: {  	[sflag:s4] =	ssyncadd.s32 $0xFFFFEA00  }
0xde: {  	[tilespmem:s8], [sflag:$0x1] =	stream.indirect.gather [hbm4b:s3+s10], $0x80, s2, s10, $0xb8;
	[tilespmem:$0x11600] =	vst v63  }
0xdf: {  	_ = 	snop  }
0xe0: {  	[tilespmem:s6], [sflag:$0x2] =	stream.indirect.gather [hbm4b:s3+s10], $0x80, s10, s10, $0xb8;
	[tilespmem:$0x11600] =	vst v63  }
0xe1: {  	_ =	swait.ge [sflag:s9], $0x8000  }
0xe2: {  	[sflag:s9] =	ssyncset.done $0x0  }
0xe3: {  	s0 =	rddreg [dreg:$0x3];
	[sflag:s9] =	ssyncadd.s32 $0xFFFF8000  }
0xe4: {  	[hbm4b:s0+s2] =	stream.linear.scatter [tilespmem:s8], [sflag:$0x3], $0x8000, $0x38;
	[tilespmem:$0x11600] =	vst v63  }
0xe5: {  	_ =	swait.ge [sflag:s4], $0x8000  }
0xe6: {  	[sflag:s4] =	ssyncset.done $0x0  }
0xe7: {  	[sflag:s4] =	ssyncadd.s32 $0xFFFF8000  }
0xe8: {  	[tilespmem:s8], [sflag:$0x1] =	stream.indirect.gather [hbm4b:s3+s10], $0x80, s31, s10, $0xb8;
	[tilespmem:$0x11600] =	vst v63  }
0xe9: {  	_ =	swait.ge [sflag:s7], $0x8000  }
0xea: {  	[sflag:s7] =	ssyncset.done $0x0  }
0xeb: {  	s0 =	rddreg [dreg:$0x4];
	[sflag:s7] =	ssyncadd.s32 $0xFFFF8000  }
0xec: {  	[hbm4b:s0+s2] =	stream.linear.scatter [tilespmem:s6], [sflag:$0x3], $0x8000, $0x38;
	[tilespmem:$0x11600] =	vst v63  }
0xed: {  	_ =	swait.ge [sflag:s4], $0x8000  }
0xee: {  	[sflag:s4] =	ssyncset.done $0x0  }
0xef: {  	[sflag:s4] =	ssyncadd.s32 $0xFFFF8000  }
0xf0: {  	[tilespmem:s6], [sflag:$0x2] =	stream.indirect.gather [hbm4b:s3+s10], $0x80, s30, s10, $0xb8;
	[tilespmem:$0x11600] =	vst v63  }
0xf1: {  	_ =	swait.ge [sflag:s9], $0x8000  }
0xf2: {  	[sflag:s9] =	ssyncset.done $0x0  }
0xf3: {  	s0 =	rddreg [dreg:$0x5];
	[sflag:s9] =	ssyncadd.s32 $0xFFFF8000  }
0xf4: {  	[hbm4b:s0+s2] =	stream.linear.scatter [tilespmem:s8], [sflag:$0x3], $0x8000, $0x38;
	[tilespmem:$0x11600] =	vst v63  }
0xf5: {  	_ =	swait.ge [sflag:s4], $0x8000  }
0xf6: {  	[sflag:s4] =	ssyncset.done $0x0  }
0xf7: {  	[sflag:s4] =	ssyncadd.s32 $0xFFFF8000  }
0xf8: {  	[tilespmem:s8], [sflag:$0x1] =	stream.indirect.gather [hbm4b:s3+s10], $0x80, s29, s10, $0xb8;
	[tilespmem:$0x11600] =	vst v63  }
0xf9: {  	_ =	swait.ge [sflag:s7], $0x8000  }
0xfa: {  	[sflag:s7] =	ssyncset.done $0x0  }
0xfb: {  	s0 =	rddreg [dreg:$0x6];
	[sflag:s7] =	ssyncadd.s32 $0xFFFF8000  }
0xfc: {  	[hbm4b:s0+s2] =	stream.linear.scatter [tilespmem:s6], [sflag:$0x3], $0x8000, $0x38;
	[tilespmem:$0x11600] =	vst v63  }
0xfd: {  	_ =	swait.ge [sflag:s4], $0x8000  }
0xfe: {  	[sflag:s4] =	ssyncset.done $0x0  }
0xff: {  	[sflag:s4] =	ssyncadd.s32 $0xFFFF8000  }
0x100: {  	[tilespmem:s6], [sflag:$0x2] =	stream.indirect.gather [hbm4b:s3+s10], $0x80, s28, s10, $0xb8;
	[tilespmem:$0x11600] =	vst v63  }
0x101: {  	_ =	swait.ge [sflag:s9], $0x8000  }
0x102: {  	[sflag:s9] =	ssyncset.done $0x0  }
0x103: {  	s0 =	rddreg [dreg:$0x7];
	[sflag:s9] =	ssyncadd.s32 $0xFFFF8000  }
0x104: {  	[hbm4b:s0+s2] =	stream.linear.scatter [tilespmem:s8], [sflag:$0x3], $0x8000, $0x38;
	[tilespmem:$0x11600] =	vst v63  }
0x105: {  	_ =	swait.ge [sflag:s4], $0x8000  }
0x106: {  	[sflag:s4] =	ssyncset.done $0x0  }
0x107: {  	[sflag:s4] =	ssyncadd.s32 $0xFFFF8000  }
0x108: {  	[tilespmem:s8], [sflag:$0x1] =	stream.indirect.gather [hbm4b:s3+s10], $0x80, s26, s10, $0xb8;
	[tilespmem:$0x11600] =	vst v63  }
0x109: {  	_ =	swait.ge [sflag:s7], $0x8000  }
0x10a: {  	[sflag:s7] =	ssyncset.done $0x0  }
0x10b: {  	s0 =	rddreg [dreg:$0x8];
	[sflag:s7] =	ssyncadd.s32 $0xFFFF8000  }
0x10c: {  	[hbm4b:s0+s2] =	stream.linear.scatter [tilespmem:s6], [sflag:$0x3], $0x8000, $0x38;
	[tilespmem:$0x11600] =	vst v63  }
0x10d: {  	_ =	swait.ge [sflag:s4], $0x8000  }
0x10e: {  	[sflag:s4] =	ssyncset.done $0x0  }
0x10f: {  	[sflag:s4] =	ssyncadd.s32 $0xFFFF8000  }
0x110: {  	[tilespmem:s6], [sflag:$0x2] =	stream.indirect.gather [hbm4b:s3+s10], $0x80, s25, s10, $0xb8;
	[tilespmem:$0x11600] =	vst v63  }
0x111: {  	_ =	swait.ge [sflag:s9], $0x8000  }
0x112: {  	[sflag:s9] =	ssyncset.done $0x0  }
0x113: {  	s0 =	rddreg [dreg:$0x9];
	[sflag:s9] =	ssyncadd.s32 $0xFFFF8000  }
0x114: {  	[hbm4b:s0+s2] =	stream.linear.scatter [tilespmem:s8], [sflag:$0x3], $0x8000, $0x38;
	[tilespmem:$0x11600] =	vst v63  }
0x115: {  	_ =	swait.ge [sflag:s4], $0x8000  }
0x116: {  	[sflag:s4] =	ssyncset.done $0x0  }
0x117: {  	[sflag:s4] =	ssyncadd.s32 $0xFFFF8000  }
0x118: {  	[tilespmem:s8], [sflag:$0x1] =	stream.indirect.gather [hbm4b:s3+s10], $0x80, s24, s10, $0xb8;
	[tilespmem:$0x11600] =	vst v63  }
0x119: {  	_ =	swait.ge [sflag:s7], $0x8000  }
0x11a: {  	[sflag:s7] =	ssyncset.done $0x0  }
0x11b: {  	s0 =	rddreg [dreg:$0xa];
	[sflag:s7] =	ssyncadd.s32 $0xFFFF8000  }
0x11c: {  	[hbm4b:s0+s2] =	stream.linear.scatter [tilespmem:s6], [sflag:$0x3], $0x8000, $0x38;
	[tilespmem:$0x11600] =	vst v63  }
0x11d: {  	_ =	swait.ge [sflag:s4], $0x8000  }
0x11e: {  	[sflag:s4] =	ssyncset.done $0x0  }
0x11f: {  	[sflag:s4] =	ssyncadd.s32 $0xFFFF8000  }
0x120: {  	[tilespmem:s6], [sflag:$0x2] =	stream.indirect.gather [hbm4b:s3+s10], $0x80, s23, s10, $0xb8;
	[tilespmem:$0x11600] =	vst v63  }
0x121: {  	_ =	swait.ge [sflag:s9], $0x8000  }
0x122: {  	[sflag:s9] =	ssyncset.done $0x0  }
0x123: {  	s0 =	rddreg [dreg:$0xb];
	[sflag:s9] =	ssyncadd.s32 $0xFFFF8000  }
0x124: {  	[hbm4b:s0+s2] =	stream.linear.scatter [tilespmem:s8], [sflag:$0x3], $0x8000, $0x38;
	[tilespmem:$0x11600] =	vst v63  }
0x125: {  	_ =	swait.ge [sflag:s4], $0x8000  }
0x126: {  	[sflag:s4] =	ssyncset.done $0x0  }
0x127: {  	[sflag:s4] =	ssyncadd.s32 $0xFFFF8000  }
0x128: {  	[tilespmem:s8], [sflag:$0x1] =	stream.indirect.gather [hbm4b:s3+s10], $0x80, s22, s10, $0xb8;
	[tilespmem:$0x11600] =	vst v63  }
0x129: {  	_ =	swait.ge [sflag:s7], $0x8000  }
0x12a: {  	[sflag:s7] =	ssyncset.done $0x0  }
0x12b: {  	s0 =	rddreg [dreg:$0xc];
	[sflag:s7] =	ssyncadd.s32 $0xFFFF8000  }
0x12c: {  	[hbm4b:s0+s2] =	stream.linear.scatter [tilespmem:s6], [sflag:$0x3], $0x8000, $0x38;
	[tilespmem:$0x11600] =	vst v63  }
0x12d: {  	_ =	swait.ge [sflag:s4], $0x8000  }
0x12e: {  	[sflag:s4] =	ssyncset.done $0x0  }
0x12f: {  	[sflag:s4] =	ssyncadd.s32 $0xFFFF8000  }
0x130: {  	[tilespmem:s6], [sflag:$0x2] =	stream.indirect.gather [hbm4b:s3+s10], $0x80, s21, s10, $0xb8;
	[tilespmem:$0x11600] =	vst v63  }
0x131: {  	_ =	swait.ge [sflag:s9], $0x8000  }
0x132: {  	[sflag:s9] =	ssyncset.done $0x0  }
0x133: {  	s0 =	rddreg [dreg:$0xd];
	[sflag:s9] =	ssyncadd.s32 $0xFFFF8000  }
0x134: {  	[hbm4b:s0+s2] =	stream.linear.scatter [tilespmem:s8], [sflag:$0x3], $0x8000, $0x38;
	[tilespmem:$0x11600] =	vst v63  }
0x135: {  	_ =	swait.ge [sflag:s4], $0x8000  }
0x136: {  	[sflag:s4] =	ssyncset.done $0x0  }
0x137: {  	[sflag:s4] =	ssyncadd.s32 $0xFFFF8000  }
0x138: {  	[tilespmem:s8], [sflag:$0x1] =	stream.indirect.gather [hbm4b:s3+s10], $0x80, s20, s10, $0xb8;
	[tilespmem:$0x11600] =	vst v63  }
0x139: {  	_ =	swait.ge [sflag:s7], $0x8000  }
0x13a: {  	[sflag:s7] =	ssyncset.done $0x0  }
0x13b: {  	s0 =	rddreg [dreg:$0xe];
	[sflag:s7] =	ssyncadd.s32 $0xFFFF8000  }
0x13c: {  	[hbm4b:s0+s2] =	stream.linear.scatter [tilespmem:s6], [sflag:$0x3], $0x8000, $0x38;
	[tilespmem:$0x11600] =	vst v63  }
0x13d: {  	_ =	swait.ge [sflag:s4], $0x8000  }
0x13e: {  	[sflag:s4] =	ssyncset.done $0x0  }
0x13f: {  	[sflag:s4] =	ssyncadd.s32 $0xFFFF8000  }
0x140: {  	[tilespmem:s6], [sflag:$0x2] =	stream.indirect.gather [hbm4b:s3+s10], $0x80, s19, s10, $0xb8;
	[tilespmem:$0x11600] =	vst v63  }
0x141: {  	_ =	swait.ge [sflag:s9], $0x8000  }
0x142: {  	[sflag:s9] =	ssyncset.done $0x0  }
0x143: {  	s0 =	rddreg [dreg:$0xf];
	[sflag:s9] =	ssyncadd.s32 $0xFFFF8000  }
0x144: {  	[hbm4b:s0+s2] =	stream.linear.scatter [tilespmem:s8], [sflag:$0x3], $0x8000, $0x38;
	[tilespmem:$0x11600] =	vst v63  }
0x145: {  	_ =	swait.ge [sflag:s4], $0x8000  }
0x146: {  	[sflag:s4] =	ssyncset.done $0x0  }
0x147: {  	[sflag:s4] =	ssyncadd.s32 $0xFFFF8000  }
0x148: {  	[tilespmem:s8], [sflag:$0x1] =	stream.indirect.gather [hbm4b:s3+s10], $0x80, s18, s10, $0xb8;
	[tilespmem:$0x11600] =	vst v63  }
0x149: {  	_ =	swait.ge [sflag:s7], $0x8000  }
0x14a: {  	[sflag:s7] =	ssyncset.done $0x0  }
0x14b: {  	s0 =	rddreg [dreg:$0x10];
	[sflag:s7] =	ssyncadd.s32 $0xFFFF8000  }
0x14c: {  	[hbm4b:s0+s2] =	stream.linear.scatter [tilespmem:s6], [sflag:$0x3], $0x8000, $0x38;
	[tilespmem:$0x11600] =	vst v63  }
0x14d: {  	_ =	swait.ge [sflag:s4], $0x8000  }
0x14e: {  	[sflag:s4] =	ssyncset.done $0x0  }
0x14f: {  	[sflag:s4] =	ssyncadd.s32 $0xFFFF8000  }
0x150: {  	[tilespmem:s6], [sflag:$0x2] =	stream.indirect.gather [hbm4b:s3+s10], $0x80, s17, s10, $0xb8;
	[tilespmem:$0x11600] =	vst v63  }
0x151: {  	_ =	swait.ge [sflag:s9], $0x8000  }
0x152: {  	[sflag:s9] =	ssyncset.done $0x0  }
0x153: {  	s0 =	rddreg [dreg:$0x11];
	[sflag:s9] =	ssyncadd.s32 $0xFFFF8000  }
0x154: {  	[hbm4b:s0+s2] =	stream.linear.scatter [tilespmem:s8], [sflag:$0x3], $0x8000, $0x38;
	[tilespmem:$0x11600] =	vst v63  }
0x155: {  	_ =	swait.ge [sflag:s4], $0x8000  }
0x156: {  	[sflag:s4] =	ssyncset.done $0x0  }
0x157: {  	[sflag:s4] =	ssyncadd.s32 $0xFFFF8000  }
0x158: {  	[tilespmem:s8], [sflag:$0x1] =	stream.indirect.gather [hbm4b:s3+s10], $0x80, s16, s10, $0xb8;
	[tilespmem:$0x11600] =	vst v63  }
0x159: {  	_ =	swait.ge [sflag:s7], $0x8000  }
0x15a: {  	[sflag:s7] =	ssyncset.done $0x0  }
0x15b: {  	s0 =	rddreg [dreg:$0x12];
	[sflag:s7] =	ssyncadd.s32 $0xFFFF8000  }
0x15c: {  	[hbm4b:s0+s2] =	stream.linear.scatter [tilespmem:s6], [sflag:$0x3], $0x8000, $0x38;
	[tilespmem:$0x11600] =	vst v63  }
0x15d: {  	_ =	swait.ge [sflag:s4], $0x8000  }
0x15e: {  	[sflag:s4] =	ssyncset.done $0x0  }
0x15f: {  	[sflag:s4] =	ssyncadd.s32 $0xFFFF8000  }
0x160: {  	[tilespmem:s6], [sflag:$0x2] =	stream.indirect.gather [hbm4b:s3+s10], $0x80, s15, s10, $0xb8;
	[tilespmem:$0x11600] =	vst v63  }
0x161: {  	_ =	swait.ge [sflag:s9], $0x8000  }
0x162: {  	[sflag:s9] =	ssyncset.done $0x0  }
0x163: {  	s0 =	rddreg [dreg:$0x13];
	[sflag:s9] =	ssyncadd.s32 $0xFFFF8000  }
0x164: {  	[hbm4b:s0+s2] =	stream.linear.scatter [tilespmem:s8], [sflag:$0x3], $0x8000, $0x38;
	[tilespmem:$0x11600] =	vst v63  }
0x165: {  	_ =	swait.ge [sflag:s4], $0x8000  }
0x166: {  	[sflag:s4] =	ssyncset.done $0x0  }
0x167: {  	[sflag:s4] =	ssyncadd.s32 $0xFFFF8000  }
0x168: {  	[tilespmem:s8], [sflag:$0x1] =	stream.indirect.gather [hbm4b:s3+s10], $0x80, s14, s10, $0xb8;
	[tilespmem:$0x11600] =	vst v63  }
0x169: {  	_ =	swait.ge [sflag:s7], $0x8000  }
0x16a: {  	[sflag:s7] =	ssyncset.done $0x0  }
0x16b: {  	s0 =	rddreg [dreg:$0x14];
	[sflag:s7] =	ssyncadd.s32 $0xFFFF8000  }
0x16c: {  	[hbm4b:s0+s2] =	stream.linear.scatter [tilespmem:s6], [sflag:$0x3], $0x8000, $0x38;
	[tilespmem:$0x11600] =	vst v63  }
0x16d: {  	_ =	swait.ge [sflag:s4], $0x8000  }
0x16e: {  	[sflag:s4] =	ssyncset.done $0x0  }
0x16f: {  	[sflag:s4] =	ssyncadd.s32 $0xFFFF8000  }
0x170: {  	[tilespmem:s6], [sflag:$0x2] =	stream.indirect.gather [hbm4b:s3+s10], $0x80, s13, s10, $0xb8;
	[tilespmem:$0x11600] =	vst v63  }
0x171: {  	_ =	swait.ge [sflag:s9], $0x8000  }
0x172: {  	[sflag:s9] =	ssyncset.done $0x0  }
0x173: {  	s0 =	rddreg [dreg:$0x15];
	[sflag:s9] =	ssyncadd.s32 $0xFFFF8000  }
0x174: {  	[hbm4b:s0+s2] =	stream.linear.scatter [tilespmem:s8], [sflag:$0x3], $0x8000, $0x38;
	[tilespmem:$0x11600] =	vst v63  }
0x175: {  	_ =	swait.ge [sflag:s4], $0x8000  }
0x176: {  	[sflag:s4] =	ssyncset.done $0x0  }
0x177: {  	[sflag:s4] =	ssyncadd.s32 $0xFFFF8000  }
0x178: {  	[tilespmem:s8], [sflag:$0x1] =	stream.indirect.gather [hbm4b:s3+s10], $0x80, s12, s10, $0xb8;
	[tilespmem:$0x11600] =	vst v63  }
0x179: {  	_ =	swait.ge [sflag:s7], $0x8000  }
0x17a: {  	[sflag:s7] =	ssyncset.done $0x0  }
0x17b: {  	s0 =	rddreg [dreg:$0x16];
	[sflag:s7] =	ssyncadd.s32 $0xFFFF8000  }
0x17c: {  	[hbm4b:s0+s2] =	stream.linear.scatter [tilespmem:s6], [sflag:$0x3], $0x8000, $0x38;
	[tilespmem:$0x11600] =	vst v63  }
0x17d: {  	_ =	swait.ge [sflag:s4], $0x8000  }
0x17e: {  	[sflag:s4] =	ssyncset.done $0x0  }
0x17f: {  	[sflag:s4] =	ssyncadd.s32 $0xFFFF8000  }
0x180: {  	[tilespmem:s6], [sflag:$0x2] =	stream.indirect.gather [hbm4b:s3+s10], $0x80, s11, s10, $0xb8;
	[tilespmem:$0x11600] =	vst v63  }
0x181: {  	_ =	swait.ge [sflag:s9], $0x8000  }
0x182: {  	[sflag:s9] =	ssyncset.done $0x0  }
0x183: {  	s0 =	rddreg [dreg:$0x17];
	[sflag:s9] =	ssyncadd.s32 $0xFFFF8000  }
0x184: {  	[hbm4b:s0+s2] =	stream.linear.scatter [tilespmem:s8], [sflag:$0x3], $0x8000, $0x38;
	[tilespmem:$0x11600] =	vst v63  }
0x185: {  	_ =	swait.ge [sflag:s4], $0x8000  }
0x186: {  	[sflag:s4] =	ssyncset.done $0x0  }
0x187: {  	[sflag:s4] =	ssyncadd.s32 $0xFFFF8000  }
0x188: {  	p1 =	sne.s32 s1, $0x1;
	_ =	swait.ge [sflag:s7], $0x8000  }
.Ltmp2:
0x189: {  	[sflag:s7] =	ssyncset.done $0x0;
	(pc) =	sbr.rel @p1 .LBB2_2-.Ltmp2, $4  }
0x18a: {  	[sflag:s7] =	ssyncadd.s32 $0xFFFF8000  }
0x18b: {  	[hbm4b:s5+s2] =	stream.linear.scatter [tilespmem:s6], [sflag:$0x3], $0x8000, $0x38;
	[tilespmem:$0x11600] =	vst v63  }
0x18c: {  	_ =	swait.ge [sflag:s4], $0x8000  }
0x18d: {  	s1 =	sadd.s32 $0xFFFFFFFF, s1;
	s0 =	rddreg [dreg:$0x2];
	[sflag:s4] =	ssyncset.done $0x0  }
.LBB2_3:
0x18e: {  	[sflag:s4] =	ssyncadd.s32 @p0 $0xFFFF8000  }
0x18f: {  	[tilespmem:s2], [sflag:$0x3] =	stream.linear.gather [hbm4b:s0+s2], $0x1600, $0x38;
	[tilespmem:$0x11600] =	vst v63  }
0x190: {  	_ =	swait.ge [sflag:s4], $0x1600  }
0x191: {  	[sflag:s4] =	ssyncset.done $0x0  }
0x192: {  	[sflag:s4] =	ssyncadd.s32 $0xFFFFEA00  }
0x193: {  	[tilespmem:s8], [sflag:$0x1] =	stream.indirect.gather [hbm4b:s3+s10], $0x80, s2, s10, $0xb8;
	[tilespmem:$0x11600] =	vst v63  }
0x194: {  	_ = 	snop  }
0x195: {  	[tilespmem:s6], [sflag:$0x2] =	stream.indirect.gather [hbm4b:s3+s10], $0x80, s10, s10, $0xb8;
	[tilespmem:$0x11600] =	vst v63  }
0x196: {  	_ =	swait.ge [sflag:s9], $0x8000  }
0x197: {  	[sflag:s9] =	ssyncset.done $0x0  }
0x198: {  	s1 =	rddreg [dreg:$0x3];
	[sflag:s9] =	ssyncadd.s32 $0xFFFF8000  }
0x199: {  	[hbm4b:s1+s2] =	stream.linear.scatter [tilespmem:s8], [sflag:$0x3], $0x8000, $0x38;
	[tilespmem:$0x11600] =	vst v63  }
0x19a: {  	_ =	swait.ge [sflag:s4], $0x8000  }
0x19b: {  	[sflag:s4] =	ssyncset.done $0x0  }
0x19c: {  	[sflag:s4] =	ssyncadd.s32 $0xFFFF8000  }
0x19d: {  	[tilespmem:s8], [sflag:$0x1] =	stream.indirect.gather [hbm4b:s3+s10], $0x80, s31, s10, $0xb8;
	[tilespmem:$0x11600] =	vst v63  }
0x19e: {  	_ =	swait.ge [sflag:s7], $0x8000  }
0x19f: {  	[sflag:s7] =	ssyncset.done $0x0  }
0x1a0: {  	s1 =	rddreg [dreg:$0x4];
	[sflag:s7] =	ssyncadd.s32 $0xFFFF8000  }
0x1a1: {  	[hbm4b:s1+s2] =	stream.linear.scatter [tilespmem:s6], [sflag:$0x3], $0x8000, $0x38;
	[tilespmem:$0x11600] =	vst v63  }
0x1a2: {  	_ =	swait.ge [sflag:s4], $0x8000  }
0x1a3: {  	[sflag:s4] =	ssyncset.done $0x0  }
0x1a4: {  	[sflag:s4] =	ssyncadd.s32 $0xFFFF8000  }
0x1a5: {  	[tilespmem:s6], [sflag:$0x2] =	stream.indirect.gather [hbm4b:s3+s10], $0x80, s30, s10, $0xb8;
	[tilespmem:$0x11600] =	vst v63  }
0x1a6: {  	_ =	swait.ge [sflag:s9], $0x8000  }
0x1a7: {  	[sflag:s9] =	ssyncset.done $0x0  }
0x1a8: {  	s30 =	rddreg [dreg:$0x5];
	[sflag:s9] =	ssyncadd.s32 $0xFFFF8000  }
0x1a9: {  	[hbm4b:s30+s2] =	stream.linear.scatter [tilespmem:s8], [sflag:$0x3], $0x8000, $0x38;
	[tilespmem:$0x11600] =	vst v63  }
0x1aa: {  	_ =	swait.ge [sflag:s4], $0x8000  }
0x1ab: {  	[sflag:s4] =	ssyncset.done $0x0  }
0x1ac: {  	[sflag:s4] =	ssyncadd.s32 $0xFFFF8000  }
0x1ad: {  	[tilespmem:s8], [sflag:$0x1] =	stream.indirect.gather [hbm4b:s3+s10], $0x80, s29, s10, $0xb8;
	[tilespmem:$0x11600] =	vst v63  }
0x1ae: {  	_ =	swait.ge [sflag:s7], $0x8000  }
0x1af: {  	[sflag:s7] =	ssyncset.done $0x0  }
0x1b0: {  	s31 =	rddreg [dreg:$0x6];
	[sflag:s7] =	ssyncadd.s32 $0xFFFF8000  }
0x1b1: {  	[hbm4b:s31+s2] =	stream.linear.scatter [tilespmem:s6], [sflag:$0x3], $0x8000, $0x38;
	[tilespmem:$0x11600] =	vst v63  }
0x1b2: {  	_ =	swait.ge [sflag:s4], $0x8000  }
0x1b3: {  	[sflag:s4] =	ssyncset.done $0x0  }
0x1b4: {  	[sflag:s4] =	ssyncadd.s32 $0xFFFF8000  }
0x1b5: {  	[tilespmem:s6], [sflag:$0x2] =	stream.indirect.gather [hbm4b:s3+s10], $0x80, s28, s10, $0xb8;
	[tilespmem:$0x11600] =	vst v63  }
0x1b6: {  	_ =	swait.ge [sflag:s9], $0x8000  }
0x1b7: {  	[sflag:s9] =	ssyncset.done $0x0  }
0x1b8: {  	s1 =	rddreg [dreg:$0x7];
	[sflag:s9] =	ssyncadd.s32 $0xFFFF8000  }
0x1b9: {  	[hbm4b:s1+s2] =	stream.linear.scatter [tilespmem:s8], [sflag:$0x3], $0x8000, $0x38;
	[tilespmem:$0x11600] =	vst v63  }
0x1ba: {  	_ =	swait.ge [sflag:s4], $0x8000  }
0x1bb: {  	[sflag:s4] =	ssyncset.done $0x0  }
0x1bc: {  	[sflag:s4] =	ssyncadd.s32 $0xFFFF8000  }
0x1bd: {  	[tilespmem:s8], [sflag:$0x1] =	stream.indirect.gather [hbm4b:s3+s10], $0x80, s26, s10, $0xb8;
	[tilespmem:$0x11600] =	vst v63  }
0x1be: {  	_ =	swait.ge [sflag:s7], $0x8000  }
0x1bf: {  	[sflag:s7] =	ssyncset.done $0x0  }
0x1c0: {  	s26 =	rddreg [dreg:$0x8];
	[sflag:s7] =	ssyncadd.s32 $0xFFFF8000  }
0x1c1: {  	[hbm4b:s26+s2] =	stream.linear.scatter [tilespmem:s6], [sflag:$0x3], $0x8000, $0x38;
	[tilespmem:$0x11600] =	vst v63  }
0x1c2: {  	_ =	swait.ge [sflag:s4], $0x8000  }
0x1c3: {  	[sflag:s4] =	ssyncset.done $0x0  }
0x1c4: {  	[sflag:s4] =	ssyncadd.s32 $0xFFFF8000  }
0x1c5: {  	[tilespmem:s6], [sflag:$0x2] =	stream.indirect.gather [hbm4b:s3+s10], $0x80, s25, s10, $0xb8;
	[tilespmem:$0x11600] =	vst v63  }
0x1c6: {  	_ =	swait.ge [sflag:s9], $0x8000  }
0x1c7: {  	[sflag:s9] =	ssyncset.done $0x0  }
0x1c8: {  	s28 =	rddreg [dreg:$0x9];
	[sflag:s9] =	ssyncadd.s32 $0xFFFF8000  }
0x1c9: {  	[hbm4b:s28+s2] =	stream.linear.scatter [tilespmem:s8], [sflag:$0x3], $0x8000, $0x38;
	[tilespmem:$0x11600] =	vst v63  }
0x1ca: {  	_ =	swait.ge [sflag:s4], $0x8000  }
0x1cb: {  	[sflag:s4] =	ssyncset.done $0x0  }
0x1cc: {  	[sflag:s4] =	ssyncadd.s32 $0xFFFF8000  }
0x1cd: {  	[tilespmem:s8], [sflag:$0x1] =	stream.indirect.gather [hbm4b:s3+s10], $0x80, s24, s10, $0xb8;
	[tilespmem:$0x11600] =	vst v63  }
0x1ce: {  	_ =	swait.ge [sflag:s7], $0x8000  }
0x1cf: {  	[sflag:s7] =	ssyncset.done $0x0  }
0x1d0: {  	s29 =	rddreg [dreg:$0xa];
	[sflag:s7] =	ssyncadd.s32 $0xFFFF8000  }
0x1d1: {  	[hbm4b:s29+s2] =	stream.linear.scatter [tilespmem:s6], [sflag:$0x3], $0x8000, $0x38;
	[tilespmem:$0x11600] =	vst v63  }
0x1d2: {  	_ =	swait.ge [sflag:s4], $0x8000  }
0x1d3: {  	[sflag:s4] =	ssyncset.done $0x0  }
0x1d4: {  	[sflag:s4] =	ssyncadd.s32 $0xFFFF8000  }
0x1d5: {  	[tilespmem:s6], [sflag:$0x2] =	stream.indirect.gather [hbm4b:s3+s10], $0x80, s23, s10, $0xb8;
	[tilespmem:$0x11600] =	vst v63  }
0x1d6: {  	_ =	swait.ge [sflag:s9], $0x8000  }
0x1d7: {  	[sflag:s9] =	ssyncset.done $0x0  }
0x1d8: {  	s30 =	rddreg [dreg:$0xb];
	[sflag:s9] =	ssyncadd.s32 $0xFFFF8000  }
0x1d9: {  	[hbm4b:s30+s2] =	stream.linear.scatter [tilespmem:s8], [sflag:$0x3], $0x8000, $0x38;
	[tilespmem:$0x11600] =	vst v63  }
0x1da: {  	_ =	swait.ge [sflag:s4], $0x8000  }
0x1db: {  	[sflag:s4] =	ssyncset.done $0x0  }
0x1dc: {  	[sflag:s4] =	ssyncadd.s32 $0xFFFF8000  }
0x1dd: {  	[tilespmem:s8], [sflag:$0x1] =	stream.indirect.gather [hbm4b:s3+s10], $0x80, s22, s10, $0xb8;
	[tilespmem:$0x11600] =	vst v63  }
0x1de: {  	_ =	swait.ge [sflag:s7], $0x8000  }
0x1df: {  	[sflag:s7] =	ssyncset.done $0x0  }
0x1e0: {  	s31 =	rddreg [dreg:$0xc];
	[sflag:s7] =	ssyncadd.s32 $0xFFFF8000  }
0x1e1: {  	[hbm4b:s31+s2] =	stream.linear.scatter [tilespmem:s6], [sflag:$0x3], $0x8000, $0x38;
	[tilespmem:$0x11600] =	vst v63  }
0x1e2: {  	_ =	swait.ge [sflag:s4], $0x8000  }
0x1e3: {  	[sflag:s4] =	ssyncset.done $0x0  }
0x1e4: {  	[sflag:s4] =	ssyncadd.s32 $0xFFFF8000  }
0x1e5: {  	[tilespmem:s6], [sflag:$0x2] =	stream.indirect.gather [hbm4b:s3+s10], $0x80, s21, s10, $0xb8;
	[tilespmem:$0x11600] =	vst v63  }
0x1e6: {  	_ =	swait.ge [sflag:s9], $0x8000  }
0x1e7: {  	[sflag:s9] =	ssyncset.done $0x0  }
0x1e8: {  	s1 =	rddreg [dreg:$0xd];
	[sflag:s9] =	ssyncadd.s32 $0xFFFF8000  }
0x1e9: {  	[hbm4b:s1+s2] =	stream.linear.scatter [tilespmem:s8], [sflag:$0x3], $0x8000, $0x38;
	[tilespmem:$0x11600] =	vst v63  }
0x1ea: {  	_ =	swait.ge [sflag:s4], $0x8000  }
0x1eb: {  	[sflag:s4] =	ssyncset.done $0x0  }
0x1ec: {  	[sflag:s4] =	ssyncadd.s32 $0xFFFF8000  }
0x1ed: {  	[tilespmem:s8], [sflag:$0x1] =	stream.indirect.gather [hbm4b:s3+s10], $0x80, s20, s10, $0xb8;
	[tilespmem:$0x11600] =	vst v63  }
0x1ee: {  	_ =	swait.ge [sflag:s7], $0x8000  }
0x1ef: {  	[sflag:s7] =	ssyncset.done $0x0  }
0x1f0: {  	s20 =	rddreg [dreg:$0xe];
	[sflag:s7] =	ssyncadd.s32 $0xFFFF8000  }
0x1f1: {  	[hbm4b:s20+s2] =	stream.linear.scatter [tilespmem:s6], [sflag:$0x3], $0x8000, $0x38;
	[tilespmem:$0x11600] =	vst v63  }
0x1f2: {  	_ =	swait.ge [sflag:s4], $0x8000  }
0x1f3: {  	[sflag:s4] =	ssyncset.done $0x0  }
0x1f4: {  	[sflag:s4] =	ssyncadd.s32 $0xFFFF8000  }
0x1f5: {  	[tilespmem:s6], [sflag:$0x2] =	stream.indirect.gather [hbm4b:s3+s10], $0x80, s19, s10, $0xb8;
	[tilespmem:$0x11600] =	vst v63  }
0x1f6: {  	_ =	swait.ge [sflag:s9], $0x8000  }
0x1f7: {  	[sflag:s9] =	ssyncset.done $0x0  }
0x1f8: {  	s21 =	rddreg [dreg:$0xf];
	[sflag:s9] =	ssyncadd.s32 $0xFFFF8000  }
0x1f9: {  	[hbm4b:s21+s2] =	stream.linear.scatter [tilespmem:s8], [sflag:$0x3], $0x8000, $0x38;
	[tilespmem:$0x11600] =	vst v63  }
0x1fa: {  	_ =	swait.ge [sflag:s4], $0x8000  }
0x1fb: {  	[sflag:s4] =	ssyncset.done $0x0  }
0x1fc: {  	[sflag:s4] =	ssyncadd.s32 $0xFFFF8000  }
0x1fd: {  	[tilespmem:s8], [sflag:$0x1] =	stream.indirect.gather [hbm4b:s3+s10], $0x80, s18, s10, $0xb8;
	[tilespmem:$0x11600] =	vst v63  }
0x1fe: {  	_ =	swait.ge [sflag:s7], $0x8000  }
0x1ff: {  	[sflag:s7] =	ssyncset.done $0x0  }
0x200: {  	s22 =	rddreg [dreg:$0x10];
	[sflag:s7] =	ssyncadd.s32 $0xFFFF8000  }
0x201: {  	[hbm4b:s22+s2] =	stream.linear.scatter [tilespmem:s6], [sflag:$0x3], $0x8000, $0x38;
	[tilespmem:$0x11600] =	vst v63  }
0x202: {  	_ =	swait.ge [sflag:s4], $0x8000  }
0x203: {  	[sflag:s4] =	ssyncset.done $0x0  }
0x204: {  	[sflag:s4] =	ssyncadd.s32 $0xFFFF8000  }
0x205: {  	[tilespmem:s6], [sflag:$0x2] =	stream.indirect.gather [hbm4b:s3+s10], $0x80, s17, s10, $0xb8;
	[tilespmem:$0x11600] =	vst v63  }
0x206: {  	_ =	swait.ge [sflag:s9], $0x8000  }
0x207: {  	[sflag:s9] =	ssyncset.done $0x0  }
0x208: {  	s23 =	rddreg [dreg:$0x11];
	[sflag:s9] =	ssyncadd.s32 $0xFFFF8000  }
0x209: {  	[hbm4b:s23+s2] =	stream.linear.scatter [tilespmem:s8], [sflag:$0x3], $0x8000, $0x38;
	[tilespmem:$0x11600] =	vst v63  }
0x20a: {  	_ =	swait.ge [sflag:s4], $0x8000  }
0x20b: {  	[sflag:s4] =	ssyncset.done $0x0  }
0x20c: {  	[sflag:s4] =	ssyncadd.s32 $0xFFFF8000  }
0x20d: {  	[tilespmem:s8], [sflag:$0x1] =	stream.indirect.gather [hbm4b:s3+s10], $0x80, s16, s10, $0xb8;
	[tilespmem:$0x11600] =	vst v63  }
0x20e: {  	_ =	swait.ge [sflag:s7], $0x8000  }
0x20f: {  	[sflag:s7] =	ssyncset.done $0x0  }
0x210: {  	s24 =	rddreg [dreg:$0x12];
	[sflag:s7] =	ssyncadd.s32 $0xFFFF8000  }
0x211: {  	[hbm4b:s24+s2] =	stream.linear.scatter [tilespmem:s6], [sflag:$0x3], $0x8000, $0x38;
	[tilespmem:$0x11600] =	vst v63  }
0x212: {  	_ =	swait.ge [sflag:s4], $0x8000  }
0x213: {  	[sflag:s4] =	ssyncset.done $0x0  }
0x214: {  	[sflag:s4] =	ssyncadd.s32 $0xFFFF8000  }
0x215: {  	[tilespmem:s6], [sflag:$0x2] =	stream.indirect.gather [hbm4b:s3+s10], $0x80, s15, s10, $0xb8;
	[tilespmem:$0x11600] =	vst v63  }
0x216: {  	_ =	swait.ge [sflag:s9], $0x8000  }
0x217: {  	[sflag:s9] =	ssyncset.done $0x0  }
0x218: {  	s25 =	rddreg [dreg:$0x13];
	[sflag:s9] =	ssyncadd.s32 $0xFFFF8000  }
0x219: {  	[hbm4b:s25+s2] =	stream.linear.scatter [tilespmem:s8], [sflag:$0x3], $0x8000, $0x38;
	[tilespmem:$0x11600] =	vst v63  }
0x21a: {  	_ =	swait.ge [sflag:s4], $0x8000  }
0x21b: {  	[sflag:s4] =	ssyncset.done $0x0  }
0x21c: {  	[sflag:s4] =	ssyncadd.s32 $0xFFFF8000  }
0x21d: {  	[tilespmem:s8], [sflag:$0x1] =	stream.indirect.gather [hbm4b:s3+s10], $0x80, s14, s10, $0xb8;
	[tilespmem:$0x11600] =	vst v63  }
0x21e: {  	_ =	swait.ge [sflag:s7], $0x8000  }
0x21f: {  	[sflag:s7] =	ssyncset.done $0x0  }
0x220: {  	s26 =	rddreg [dreg:$0x14];
	[sflag:s7] =	ssyncadd.s32 $0xFFFF8000  }
0x221: {  	[hbm4b:s26+s2] =	stream.linear.scatter [tilespmem:s6], [sflag:$0x3], $0x8000, $0x38;
	[tilespmem:$0x11600] =	vst v63  }
0x222: {  	_ =	swait.ge [sflag:s4], $0x8000  }
0x223: {  	[sflag:s4] =	ssyncset.done $0x0  }
0x224: {  	[sflag:s4] =	ssyncadd.s32 $0xFFFF8000  }
0x225: {  	[tilespmem:s6], [sflag:$0x2] =	stream.indirect.gather [hbm4b:s3+s10], $0x80, s13, s10, $0xb8;
	[tilespmem:$0x11600] =	vst v63  }
0x226: {  	_ =	swait.ge [sflag:s9], $0x8000  }
0x227: {  	[sflag:s9] =	ssyncset.done $0x0  }
0x228: {  	s28 =	rddreg [dreg:$0x15];
	[sflag:s9] =	ssyncadd.s32 $0xFFFF8000  }
0x229: {  	[hbm4b:s28+s2] =	stream.linear.scatter [tilespmem:s8], [sflag:$0x3], $0x8000, $0x38;
	[tilespmem:$0x11600] =	vst v63  }
0x22a: {  	_ =	swait.ge [sflag:s4], $0x8000  }
0x22b: {  	[sflag:s4] =	ssyncset.done $0x0  }
0x22c: {  	[sflag:s4] =	ssyncadd.s32 $0xFFFF8000  }
0x22d: {  	[tilespmem:s8], [sflag:$0x1] =	stream.indirect.gather [hbm4b:s3+s10], $0x80, s12, s10, $0xb8;
	[tilespmem:$0x11600] =	vst v63  }
0x22e: {  	_ =	swait.ge [sflag:s7], $0x8000  }
0x22f: {  	[sflag:s7] =	ssyncset.done $0x0  }
0x230: {  	s29 =	rddreg [dreg:$0x16];
	[sflag:s7] =	ssyncadd.s32 $0xFFFF8000  }
0x231: {  	[hbm4b:s29+s2] =	stream.linear.scatter [tilespmem:s6], [sflag:$0x3], $0x8000, $0x38;
	[tilespmem:$0x11600] =	vst v63  }
0x232: {  	_ =	swait.ge [sflag:s4], $0x8000  }
0x233: {  	[sflag:s4] =	ssyncset.done $0x0  }
0x234: {  	[sflag:s4] =	ssyncadd.s32 $0xFFFF8000  }
0x235: {  	[tilespmem:s6], [sflag:$0x2] =	stream.indirect.gather [hbm4b:s3+s10], $0x80, s11, s10, $0xb8;
	[tilespmem:$0x11600] =	vst v63  }
0x236: {  	_ =	swait.ge [sflag:s9], $0x8000  }
0x237: {  	[sflag:s9] =	ssyncset.done $0x0  }
0x238: {  	s30 =	rddreg [dreg:$0x17];
	[sflag:s9] =	ssyncadd.s32 $0xFFFF8000  }
0x239: {  	[hbm4b:s30+s2] =	stream.linear.scatter [tilespmem:s8], [sflag:$0x3], $0x8000, $0x38;
	[tilespmem:$0x11600] =	vst v63  }
0x23a: {  	_ =	swait.ge [sflag:s4], $0x8000  }
0x23b: {  	[sflag:s4] =	ssyncset.done $0x0  }
0x23c: {  	[sflag:s4] =	ssyncadd.s32 $0xFFFF8000  }
0x23d: {  	_ =	swait.ge [sflag:s7], $0x8000  }
0x23e: {  	[sflag:s7] =	ssyncset.done $0x0  }
0x23f: {  	[sflag:s7] =	ssyncadd.s32 $0xFFFF8000  }
0x240: {  	[hbm4b:s5+s2] =	stream.linear.scatter [tilespmem:s6], [sflag:$0x3], $0x8000, $0x38;
	[tilespmem:$0x11600] =	vst v63  }
0x241: {  	_ =	swait.ge [sflag:s4], $0x8000  }
0x242: {  	[sflag:s4] =	ssyncset.done $0x0  }
0x243: {  	[sflag:s4] =	ssyncadd.s32 $0xFFFF8000  }
0x244: {  	_ =	sfence.sel $0x180000  }
0x245: {  	[bflag:$0x0] =	sbarrier.arrive $0xFFFF  }
0x246: {  	_ =	strace $0x90000047  }
0x247: {  	s31 =	stileid.u32;
	[bflag:$0x2] =	sbarrier.arrive $0xFFFF  }
0x248: {  	p0 =	sne.s32 s31, $0x0;
	s0 =	rddreg [dreg:$0x1]  }
0x249: {  	s0 =	sadd.s32 @!p0 $0x100000, s0  }
0x24a: {  	[sflag:s0] =	ssyncadd.tile.s32 @!p0 $0x1;
	_ =	shalt  }
.Lfunc_end2:
_tile_overlayer_lowered:
.L_overlay_start_2:
0x24b: {  	(tag) =	ssettag $0x2  }
0x24c: {  	s0 =	rddreg [dreg:$0x0];
	s2 =	stileid.u32  }
0x24d: {  	s1 =	rddreg [dreg:$0x1];
	p0 =	sne.s32 s2, $0x0  }
0x24e: {  	s3 =	rddreg [dreg:$0x2];
	[bflag:$0x3] =	sbarrier.arrive $0xFFFF;
	s2 =	simm.s32 @!p0 $0x1C03  }
0x24f: {  	[timem:s3], [sflag:s2] =	dma.local @!p0 [hbm:s0], s1  }
0x250: {  	s0 =	simm.s32 @!p0 $0x3  }
0x251: {  	_ =	swait.ge @!p0 [sflag:s0], s1  }
0x252: {  	s1 =	ssub.s32 @!p0 $0x0, s1;
	[sflag:s0] =	ssyncset.done @!p0 $0x0  }
0x253: {  	[sflag:s0] =	ssyncadd.s32 @!p0 s1  }
0x254: {  	[bflag:$0x3] =	sbarrier.arrive $0xFFFF  }
0x255: {  	_ =	shalt  }

</sc_bundles>
